<compile_context>
chip_gen: v7x
topology: tpu7x:2x2x1
jax: 0.10.2.dev20260603
libtpu: 0.0.44.dev20260713+nightly
codegen_flags: <defaults>
</compile_context>

<pallas_src>
import functools

import jax
import jax.numpy as jnp
from jax import lax
from jax.experimental import pallas as pl
from jax.experimental.pallas import tpu as pltpu
from jax.experimental.pallas import tpu_sc as plsc

B = 1024
N = 3129
D = 768
NP = 3200
RB = 128
NB = NP // RB
NEG = -3.0e38

NC = 2
NS = 16
NW = NC * NS
ROWS_W = B // NW
CH = 640
NCH = NP // CH


def _a2_body(e_blk, e_full, map_ref, rec_ref):
    i = pl.program_id(0)

    @pl.when(i == 0)
    def _():
        e = e_full[...]
        g = lax.dot_general(e, e, (((0,), (0,)), ((), ())),
                            preferred_element_type=jnp.float32)
        h = lax.dot_general(e, g.astype(jnp.bfloat16),
                            (((1,), (0,)), ((), ())),
                            preferred_element_type=jnp.float32)
        n2 = jnp.sum(e.astype(jnp.float32) * h, axis=1)
        rec_ref[...] = (1.0 / jnp.sqrt(n2)).reshape(1, NP)

    s = lax.dot_general(e_blk[...], e_full[...], (((1,), (1,)), ((), ())),
                        preferred_element_type=jnp.float32)
    ref_ = rec_ref[...].reshape(NP)
    reb = rec_ref[0, pl.ds(i * RB, RB)]
    v = s * (reb[:, None] * ref_[None, :])
    col = lax.broadcasted_iota(jnp.int32, (RB, NP), 1)
    rowg = i * RB + lax.broadcasted_iota(jnp.int32, (RB, NP), 0)
    v = jnp.where(col == rowg, -2.0, v)
    v = jnp.where(col >= N, NEG, v)
    m = jnp.max(v, axis=1, keepdims=True)
    idx = jnp.min(jnp.where(v == m, col, NP), axis=1)
    map_ref[...] = idx.astype(jnp.int32).reshape(1, 1, RB)


def _c_body(x_ref, wt_ref, out_ref):
    x = x_ref[...]
    f = jnp.maximum(x, 0.0) + jnp.log(1.0 + jnp.exp(-jnp.abs(x)))
    w = jnp.transpose(wt_ref[...])[:, :N]
    out_ref[...] = (jnp.sum(f) - jnp.sum(x * w)).reshape(1, 1, 1)


def _sc_body(labt_hbm, map_hbm, wint_hbm, map_v, lab_v, win_v, sem):
    wid = lax.axis_index("s") * NC + lax.axis_index("c")
    pltpu.sync_copy(map_hbm, map_v)
    iot = lax.iota(jnp.int32, 16)
    zeros16 = jnp.zeros((16,), jnp.float32)

    out_dma = None
    for grp in range(ROWS_W // 16):
        r0 = wid * ROWS_W + grp * 16
        pltpu.sync_copy(labt_hbm.at[:, pl.ds(r0, 16)], lab_v)
        if out_dma is not None:
            out_dma.wait()

        def _initk(k, _):
            for kk in range(8):
                win_v[k * 8 + kk, :] = zeros16
            return 0
        lax.fori_loop(0, NP // 8, _initk, 0)

        UN = 12
        def _ph1(t, _):
            base = t * UN
            mch = map_v[pl.ds(base, 16)]
            mvecs = [jnp.full((16,), mch[k], jnp.int32) for k in range(UN)]
            lvs = [plsc.load_gather(
                lab_v, [jnp.full((16,), base + k, jnp.int32), iot])
                for k in range(UN)]
            msks = [plsc.bitcast(lv, jnp.int32) != 0 for lv in lvs]
            for k in range(UN):
                plsc.store_scatter(win_v, [mvecs[k], iot], lvs[k],
                                   mask=msks[k])
            return 0
        lax.fori_loop(0, N // UN, _ph1, 0)
        base = (N // UN) * UN
        mch = map_v[pl.ds(base, 16)]
        mvecs = [jnp.full((16,), mch[k], jnp.int32) for k in range(N % UN)]
        lvs = [plsc.load_gather(
            lab_v, [jnp.full((16,), base + k, jnp.int32), iot])
            for k in range(N % UN)]
        msks = [plsc.bitcast(lv, jnp.int32) != 0 for lv in lvs]
        for k in range(N % UN):
            plsc.store_scatter(win_v, [mvecs[k], iot], lvs[k], mask=msks[k])

        out_dma = pltpu.async_copy(
            win_v, wint_hbm.at[:, pl.ds(r0, 16)], sem)
    out_dma.wait()


@jax.jit
def kernel(prediction, label, Embedding):
    ep = jnp.pad(Embedding, ((0, NP - N), (0, 0))).astype(jnp.bfloat16)
    mapping = pl.pallas_call(
        _a2_body,
        grid=(NB,),
        in_specs=[
            pl.BlockSpec((RB, D), lambda i: (i, 0)),
            pl.BlockSpec((NP, D), lambda i: (0, 0)),
        ],
        out_specs=pl.BlockSpec((1, 1, RB), lambda i: (i, 0, 0)),
        out_shape=jax.ShapeDtypeStruct((NB, 1, RB), jnp.int32),
        scratch_shapes=[pltpu.VMEM((1, NP), jnp.float32)],
    )(ep, ep).reshape(NP)

    labelt = jnp.pad(label.T, ((0, NP - N), (0, 0)))

    mesh = plsc.VectorSubcoreMesh(core_axis_name="c", subcore_axis_name="s")
    wint = pl.kernel(
        _sc_body,
        out_type=jax.ShapeDtypeStruct((NP, B), jnp.float32),
        mesh=mesh,
        compiler_params=pltpu.CompilerParams(
            use_tc_tiling_on_sc=False, needs_layout_passes=False),
        scratch_types=[
            pltpu.VMEM((NP,), jnp.int32),
            pltpu.VMEM((NP, 16), jnp.float32),
            pltpu.VMEM((NP, 16), jnp.float32),
            pltpu.SemaphoreType.DMA,
        ],
    )(labelt, mapping)

    parts = pl.pallas_call(
        _c_body,
        grid=(B // RB,),
        in_specs=[
            pl.BlockSpec((RB, N), lambda i: (i, 0)),
            pl.BlockSpec((NP, RB), lambda i: (0, i)),
        ],
        out_specs=pl.BlockSpec((1, 1, 1), lambda i: (i, 0, 0)),
        out_shape=jax.ShapeDtypeStruct((B // RB, 1, 1), jnp.float32),
    )(prediction, wint)

    return jnp.sum(parts) / jnp.float32(B)

# --- scband reference (transcript-rebuilt; emitter-appended) ---
"""Pipeline reference for scband-sce-87574383165527 (READ-ONLY COPY).

The authoritative reference and input builder live on the scoring server;
editing this copy changes nothing except your own understanding.
"""

import jax, jax.numpy as jnp
import numpy as np

B = 1024
N = 3129
D = 768


def setup_inputs(seed: int = 0) -> dict:
    key = jax.random.key(seed)
    k1, k2, k3 = jax.random.split(key, 3)
    prediction = jax.random.normal(k1, (B, N), dtype=jnp.float32)
    label = jax.random.uniform(k2, (B, N), dtype=jnp.float32)
    Embedding = jax.random.normal(k3, (N, D), dtype=jnp.float32)
    return {"prediction": prediction, "label": label, "Embedding": Embedding}


def _bce_with_logits_mean(logits, labels):
    # numerically-stable BCE-with-logits, mean reduction (matches torch default)
    return jnp.mean(jnp.maximum(logits, 0.0) - logits * labels + jnp.log1p(jnp.exp(-jnp.abs(logits))))


def reference(prediction, label, Embedding):
    # Embedding similarity (gram matrix), then cosine-normalize its rows
    sim = Embedding @ Embedding.T                       # [N, N]
    e_norm = jnp.sqrt((sim ** 2).sum(1)).reshape(-1, 1)  # [N, 1]
    sim = sim / (e_norm @ e_norm.T + 1e-08)
    diag_mask = jnp.eye(N, dtype=bool)
    sim_masked = jnp.where(diag_mask, -2.0, sim)
    mapping = jnp.argmax(sim_masked, axis=1)            # [N] int: nearest-neighbor answer

    # semantic_a[i, mapping[g]] = label[i, g] for every g with label[i, g] != 0,
    # iterated g = 0..N-1 so the LARGEST colliding g wins (last write wins).
    # Deterministic emulation: scatter-max the source index g, then gather.
    g = jnp.arange(N, dtype=jnp.int32)
    cand = jnp.where(label != 0, g[None, :], -1)        # [B, N]
    winner = jnp.full((label.shape[0], N), -1, dtype=jnp.int32).at[:, mapping].max(cand)  # [B, N]
    gathered = jnp.take_along_axis(label, jnp.clip(winner, 0, N - 1), axis=1)
    semantic_a = jnp.where(winner >= 0, gathered, 0.0)  # [B, N]

    loss = _bce_with_logits_mean(prediction, semantic_a) * jnp.float32(N)
    return loss

if __name__ == "__main__":
    import jax
    _d = setup_inputs()
    print(jax.jit(kernel)(*tuple(_d.values())))

</pallas_src>

<mosaic_0001>
#map = affine_map<(d0, d1) -> (0, 0)>
#map1 = affine_map<(d0, d1) -> (0)>
module attributes {stable_mosaic.version = 14 : i64} {
  func.func @_sc_body(%arg0: i32, %arg1: i32, %arg2: memref<3200x1024xf32, #tpu.memory_space<hbm>>, %arg3: memref<3200xi32, #tpu.memory_space<hbm>>, %arg4: memref<3200x1024xf32, #tpu.memory_space<hbm>>, %arg5: memref<3200xi32, #tpu.memory_space<vmem>>, %arg6: memref<3200x16xf32, #tpu.memory_space<vmem>>, %arg7: memref<3200x16xf32, #tpu.memory_space<vmem>>, %arg8: memref<!tpu.dma_semaphore, #tpu.memory_space<semaphore_mem>>) attributes {dimension_semantics = [#tpu.dimension_semantics<core_parallel>, #tpu.dimension_semantics<subcore_parallel>], iteration_bounds = array<i64: 2, 16>, scalar_prefetch = 0 : i64, scratch_operands = 4 : i64, tpu.core_type = #tpu.core_type<sc_vector_subcore>, window_params = [{transform_indices = #map}, {transform_indices = #map1}, {transform_indices = #map}]} {
    %mul3A = arith.constant 2 : i32
    %mul3A_0 = arith.muli %arg1, %mul3A : i32
    %add3A = arith.addi %mul3A_0, %arg0 : i32
    "tpu.region"() ({
      %run_scoped3A = tpu.sem_alloc : memref<!tpu.dma_semaphore, #tpu.memory_space<semaphore_mem>>
      tpu.enqueue_dma source(%arg3 : memref<3200xi32, #tpu.memory_space<hbm>>) target(%arg5 : memref<3200xi32, #tpu.memory_space<vmem>>) target_semaphore(%run_scoped3A : memref<!tpu.dma_semaphore, #tpu.memory_space<semaphore_mem>>)
      tpu.wait_dma2 semaphore(%run_scoped3A : memref<!tpu.dma_semaphore, #tpu.memory_space<semaphore_mem>>) src(%arg3 : memref<3200xi32, #tpu.memory_space<hbm>>) dst(%arg5 : memref<3200xi32, #tpu.memory_space<vmem>>)
      tpu.yield
    }) : () -> ()
    %iota3A = tpu.iota {dimensions = array<i32: 0>} : vector<16xi32>
    %broadcast_in_dim3A = arith.constant 0.000000e+00 : f32
    %broadcast_in_dim3A_1 = vector.broadcast %broadcast_in_dim3A : f32 to vector<16xf32>
    %mul3A_2 = arith.constant 32 : i32
    %mul3A_3 = arith.muli %add3A, %mul3A_2 : i32
    %add3A_4 = arith.constant 0 : i32
    %add3A_5 = arith.addi %mul3A_3, %add3A_4 : i32
    "tpu.region"() ({
      %run_scoped3A = tpu.sem_alloc : memref<!tpu.dma_semaphore, #tpu.memory_space<semaphore_mem>>
      %dma_start3A_229 = arith.constant 0 : i32
      %dma_start3A_230 = tpu.memref_slice %arg2[%dma_start3A_229, %add3A_5] : memref<3200x1024xf32, #tpu.memory_space<hbm>> -> memref<3200x16xf32, #tpu.memory_space<hbm>>
      %dma_start3A_231 = arith.constant 0 : i32
      %dma_start3A_232 = tpu.memref_slice %arg2[%dma_start3A_231, %add3A_5] : memref<3200x1024xf32, #tpu.memory_space<hbm>> -> memref<3200x16xf32, #tpu.memory_space<hbm>>
      tpu.enqueue_dma source(%dma_start3A_232 : memref<3200x16xf32, #tpu.memory_space<hbm>>) target(%arg6 : memref<3200x16xf32, #tpu.memory_space<vmem>>) target_semaphore(%run_scoped3A : memref<!tpu.dma_semaphore, #tpu.memory_space<semaphore_mem>>)
      %dma_wait3A_233 = arith.constant 0 : i32
      %dma_wait3A_234 = tpu.memref_slice %arg2[%dma_wait3A_233, %add3A_5] : memref<3200x1024xf32, #tpu.memory_space<hbm>> -> memref<3200x16xf32, #tpu.memory_space<hbm>>
      %dma_wait3A_235 = arith.constant 0 : i32
      %dma_wait3A_236 = tpu.memref_slice %arg2[%dma_wait3A_235, %add3A_5] : memref<3200x1024xf32, #tpu.memory_space<hbm>> -> memref<3200x16xf32, #tpu.memory_space<hbm>>
      tpu.wait_dma2 semaphore(%run_scoped3A : memref<!tpu.dma_semaphore, #tpu.memory_space<semaphore_mem>>) src(%dma_wait3A_236 : memref<3200x16xf32, #tpu.memory_space<hbm>>) dst(%arg6 : memref<3200x16xf32, #tpu.memory_space<vmem>>)
      tpu.yield
    }) : () -> ()
    %scan3A = arith.constant 0 : i32
    %scan3A_6 = arith.constant 0 : i32
    %scan3A_7 = arith.constant 400 : i32
    %scan3A_8 = arith.addi %scan3A_6, %scan3A_7 : i32
    %scan3A_9 = arith.constant 1 : i32
    %scan3A_10 = scf.for %scan3A_229 = %scan3A_6 to %scan3A_8 step %scan3A_9 iter_args(%scan3A_230 = %scan3A) -> (i32)  : i32 {
      %mul3A_231 = arith.constant 8 : i32
      %mul3A_232 = arith.muli %scan3A_229, %mul3A_231 : i32
      %add3A_233 = arith.constant 0 : i32
      %add3A_234 = arith.addi %mul3A_232, %add3A_233 : i32
      %swap3A = arith.index_cast %add3A_234 : i32 to index
      %swap3A_235 = arith.constant 0 : index
      %swap3A_236 = tpu.vector_load %arg7[%swap3A, %swap3A_235] {strides = array<i32>} : memref<3200x16xf32, #tpu.memory_space<vmem>>, vector<16xf32>,
      tpu.vector_store %arg7[%swap3A, %swap3A_235], %broadcast_in_dim3A_1 {strides = array<i32>} : memref<3200x16xf32, #tpu.memory_space<vmem>>, vector<16xf32>,
      %mul3A_237 = arith.constant 8 : i32
      %mul3A_238 = arith.muli %scan3A_229, %mul3A_237 : i32
      %add3A_239 = arith.constant 1 : i32
      %add3A_240 = arith.addi %mul3A_238, %add3A_239 : i32
      %swap3A_241 = arith.index_cast %add3A_240 : i32 to index
      %swap3A_242 = arith.constant 0 : index
      %swap3A_243 = tpu.vector_load %arg7[%swap3A_241, %swap3A_242] {strides = array<i32>} : memref<3200x16xf32, #tpu.memory_space<vmem>>, vector<16xf32>,
      tpu.vector_store %arg7[%swap3A_241, %swap3A_242], %broadcast_in_dim3A_1 {strides = array<i32>} : memref<3200x16xf32, #tpu.memory_space<vmem>>, vector<16xf32>,
      %mul3A_244 = arith.constant 8 : i32
      %mul3A_245 = arith.muli %scan3A_229, %mul3A_244 : i32
      %add3A_246 = arith.constant 2 : i32
      %add3A_247 = arith.addi %mul3A_245, %add3A_246 : i32
      %swap3A_248 = arith.index_cast %add3A_247 : i32 to index
      %swap3A_249 = arith.constant 0 : index
      %swap3A_250 = tpu.vector_load %arg7[%swap3A_248, %swap3A_249] {strides = array<i32>} : memref<3200x16xf32, #tpu.memory_space<vmem>>, vector<16xf32>,
      tpu.vector_store %arg7[%swap3A_248, %swap3A_249], %broadcast_in_dim3A_1 {strides = array<i32>} : memref<3200x16xf32, #tpu.memory_space<vmem>>, vector<16xf32>,
      %mul3A_251 = arith.constant 8 : i32
      %mul3A_252 = arith.muli %scan3A_229, %mul3A_251 : i32
      %add3A_253 = arith.constant 3 : i32
      %add3A_254 = arith.addi %mul3A_252, %add3A_253 : i32
      %swap3A_255 = arith.index_cast %add3A_254 : i32 to index
      %swap3A_256 = arith.constant 0 : index
      %swap3A_257 = tpu.vector_load %arg7[%swap3A_255, %swap3A_256] {strides = array<i32>} : memref<3200x16xf32, #tpu.memory_space<vmem>>, vector<16xf32>,
      tpu.vector_store %arg7[%swap3A_255, %swap3A_256], %broadcast_in_dim3A_1 {strides = array<i32>} : memref<3200x16xf32, #tpu.memory_space<vmem>>, vector<16xf32>,
      %mul3A_258 = arith.constant 8 : i32
      %mul3A_259 = arith.muli %scan3A_229, %mul3A_258 : i32
      %add3A_260 = arith.constant 4 : i32
      %add3A_261 = arith.addi %mul3A_259, %add3A_260 : i32
      %swap3A_262 = arith.index_cast %add3A_261 : i32 to index
      %swap3A_263 = arith.constant 0 : index
      %swap3A_264 = tpu.vector_load %arg7[%swap3A_262, %swap3A_263] {strides = array<i32>} : memref<3200x16xf32, #tpu.memory_space<vmem>>, vector<16xf32>,
      tpu.vector_store %arg7[%swap3A_262, %swap3A_263], %broadcast_in_dim3A_1 {strides = array<i32>} : memref<3200x16xf32, #tpu.memory_space<vmem>>, vector<16xf32>,
      %mul3A_265 = arith.constant 8 : i32
      %mul3A_266 = arith.muli %scan3A_229, %mul3A_265 : i32
      %add3A_267 = arith.constant 5 : i32
      %add3A_268 = arith.addi %mul3A_266, %add3A_267 : i32
      %swap3A_269 = arith.index_cast %add3A_268 : i32 to index
      %swap3A_270 = arith.constant 0 : index
      %swap3A_271 = tpu.vector_load %arg7[%swap3A_269, %swap3A_270] {strides = array<i32>} : memref<3200x16xf32, #tpu.memory_space<vmem>>, vector<16xf32>,
      tpu.vector_store %arg7[%swap3A_269, %swap3A_270], %broadcast_in_dim3A_1 {strides = array<i32>} : memref<3200x16xf32, #tpu.memory_space<vmem>>, vector<16xf32>,
      %mul3A_272 = arith.constant 8 : i32
      %mul3A_273 = arith.muli %scan3A_229, %mul3A_272 : i32
      %add3A_274 = arith.constant 6 : i32
      %add3A_275 = arith.addi %mul3A_273, %add3A_274 : i32
      %swap3A_276 = arith.index_cast %add3A_275 : i32 to index
      %swap3A_277 = arith.constant 0 : index
      %swap3A_278 = tpu.vector_load %arg7[%swap3A_276, %swap3A_277] {strides = array<i32>} : memref<3200x16xf32, #tpu.memory_space<vmem>>, vector<16xf32>,
      tpu.vector_store %arg7[%swap3A_276, %swap3A_277], %broadcast_in_dim3A_1 {strides = array<i32>} : memref<3200x16xf32, #tpu.memory_space<vmem>>, vector<16xf32>,
      %mul3A_279 = arith.constant 8 : i32
      %mul3A_280 = arith.muli %scan3A_229, %mul3A_279 : i32
      %add3A_281 = arith.constant 7 : i32
      %add3A_282 = arith.addi %mul3A_280, %add3A_281 : i32
      %swap3A_283 = arith.index_cast %add3A_282 : i32 to index
      %swap3A_284 = arith.constant 0 : index
      %swap3A_285 = tpu.vector_load %arg7[%swap3A_283, %swap3A_284] {strides = array<i32>} : memref<3200x16xf32, #tpu.memory_space<vmem>>, vector<16xf32>,
      tpu.vector_store %arg7[%swap3A_283, %swap3A_284], %broadcast_in_dim3A_1 {strides = array<i32>} : memref<3200x16xf32, #tpu.memory_space<vmem>>, vector<16xf32>,
      %scan3A_286 = arith.constant 0 : i32
      scf.yield %scan3A_286 : i32
    }
    %scan3A_11 = arith.constant 400 : i32
    %scan3A_12 = arith.constant 0 : i32
    %scan3A_13 = arith.constant 0 : i32
    %scan3A_14 = arith.constant 260 : i32
    %scan3A_15 = arith.addi %scan3A_13, %scan3A_14 : i32
    %scan3A_16 = arith.constant 1 : i32
    %scan3A_17 = scf.for %scan3A_229 = %scan3A_13 to %scan3A_15 step %scan3A_16 iter_args(%scan3A_230 = %scan3A_12) -> (i32)  : i32 {
      %mul3A_231 = arith.constant 12 : i32
      %mul3A_232 = arith.muli %scan3A_229, %mul3A_231 : i32
      %get3A_233 = arith.index_cast %mul3A_232 : i32 to index
      %get3A_234 = tpu.vector_load %arg5[%get3A_233] {strides = array<i32>} : memref<3200xi32, #tpu.memory_space<vmem>>, vector<16xi32>,
      %slice3A_235 = vector.extract_strided_slice %get3A_234 {offsets = [0], sizes = [1], strides = [1]} : vector<16xi32> to vector<1xi32>
      %squeeze3A_236 = vector.extract %slice3A_235[0] : i32 from vector<1xi32>
      %broadcast_in_dim3A_237 = vector.broadcast %squeeze3A_236 : i32 to vector<16xi32>
      %slice3A_238 = vector.extract_strided_slice %get3A_234 {offsets = [1], sizes = [1], strides = [1]} : vector<16xi32> to vector<1xi32>
      %squeeze3A_239 = vector.extract %slice3A_238[0] : i32 from vector<1xi32>
      %broadcast_in_dim3A_240 = vector.broadcast %squeeze3A_239 : i32 to vector<16xi32>
      %slice3A_241 = vector.extract_strided_slice %get3A_234 {offsets = [2], sizes = [1], strides = [1]} : vector<16xi32> to vector<1xi32>
      %squeeze3A_242 = vector.extract %slice3A_241[0] : i32 from vector<1xi32>
      %broadcast_in_dim3A_243 = vector.broadcast %squeeze3A_242 : i32 to vector<16xi32>
      %slice3A_244 = vector.extract_strided_slice %get3A_234 {offsets = [3], sizes = [1], strides = [1]} : vector<16xi32> to vector<1xi32>
      %squeeze3A_245 = vector.extract %slice3A_244[0] : i32 from vector<1xi32>
      %broadcast_in_dim3A_246 = vector.broadcast %squeeze3A_245 : i32 to vector<16xi32>
      %slice3A_247 = vector.extract_strided_slice %get3A_234 {offsets = [4], sizes = [1], strides = [1]} : vector<16xi32> to vector<1xi32>
      %squeeze3A_248 = vector.extract %slice3A_247[0] : i32 from vector<1xi32>
      %broadcast_in_dim3A_249 = vector.broadcast %squeeze3A_248 : i32 to vector<16xi32>
      %slice3A_250 = vector.extract_strided_slice %get3A_234 {offsets = [5], sizes = [1], strides = [1]} : vector<16xi32> to vector<1xi32>
      %squeeze3A_251 = vector.extract %slice3A_250[0] : i32 from vector<1xi32>
      %broadcast_in_dim3A_252 = vector.broadcast %squeeze3A_251 : i32 to vector<16xi32>
      %slice3A_253 = vector.extract_strided_slice %get3A_234 {offsets = [6], sizes = [1], strides = [1]} : vector<16xi32> to vector<1xi32>
      %squeeze3A_254 = vector.extract %slice3A_253[0] : i32 from vector<1xi32>
      %broadcast_in_dim3A_255 = vector.broadcast %squeeze3A_254 : i32 to vector<16xi32>
      %slice3A_256 = vector.extract_strided_slice %get3A_234 {offsets = [7], sizes = [1], strides = [1]} : vector<16xi32> to vector<1xi32>
      %squeeze3A_257 = vector.extract %slice3A_256[0] : i32 from vector<1xi32>
      %broadcast_in_dim3A_258 = vector.broadcast %squeeze3A_257 : i32 to vector<16xi32>
      %slice3A_259 = vector.extract_strided_slice %get3A_234 {offsets = [8], sizes = [1], strides = [1]} : vector<16xi32> to vector<1xi32>
      %squeeze3A_260 = vector.extract %slice3A_259[0] : i32 from vector<1xi32>
      %broadcast_in_dim3A_261 = vector.broadcast %squeeze3A_260 : i32 to vector<16xi32>
      %slice3A_262 = vector.extract_strided_slice %get3A_234 {offsets = [9], sizes = [1], strides = [1]} : vector<16xi32> to vector<1xi32>
      %squeeze3A_263 = vector.extract %slice3A_262[0] : i32 from vector<1xi32>
      %broadcast_in_dim3A_264 = vector.broadcast %squeeze3A_263 : i32 to vector<16xi32>
      %slice3A_265 = vector.extract_strided_slice %get3A_234 {offsets = [10], sizes = [1], strides = [1]} : vector<16xi32> to vector<1xi32>
      %squeeze3A_266 = vector.extract %slice3A_265[0] : i32 from vector<1xi32>
      %broadcast_in_dim3A_267 = vector.broadcast %squeeze3A_266 : i32 to vector<16xi32>
      %slice3A_268 = vector.extract_strided_slice %get3A_234 {offsets = [11], sizes = [1], strides = [1]} : vector<16xi32> to vector<1xi32>
      %squeeze3A_269 = vector.extract %slice3A_268[0] : i32 from vector<1xi32>
      %broadcast_in_dim3A_270 = vector.broadcast %squeeze3A_269 : i32 to vector<16xi32>
      %add3A_271 = arith.constant 0 : i32
      %add3A_272 = arith.addi %mul3A_232, %add3A_271 : i32
      %broadcast_in_dim3A_273 = vector.broadcast %add3A_272 : i32 to vector<16xi32>
      %gather3A_274 = tpu.vector_load_idx %arg6[%broadcast_in_dim3A_273, %iota3A] : memref<3200x16xf32, #tpu.memory_space<vmem>>[vector<16xi32>, vector<16xi32>], vector<16xf32>,
      %add3A_275 = arith.constant 1 : i32
      %add3A_276 = arith.addi %mul3A_232, %add3A_275 : i32
      %broadcast_in_dim3A_277 = vector.broadcast %add3A_276 : i32 to vector<16xi32>
      %gather3A_278 = tpu.vector_load_idx %arg6[%broadcast_in_dim3A_277, %iota3A] : memref<3200x16xf32, #tpu.memory_space<vmem>>[vector<16xi32>, vector<16xi32>], vector<16xf32>,
      %add3A_279 = arith.constant 2 : i32
      %add3A_280 = arith.addi %mul3A_232, %add3A_279 : i32
      %broadcast_in_dim3A_281 = vector.broadcast %add3A_280 : i32 to vector<16xi32>
      %gather3A_282 = tpu.vector_load_idx %arg6[%broadcast_in_dim3A_281, %iota3A] : memref<3200x16xf32, #tpu.memory_space<vmem>>[vector<16xi32>, vector<16xi32>], vector<16xf32>,
      %add3A_283 = arith.constant 3 : i32
      %add3A_284 = arith.addi %mul3A_232, %add3A_283 : i32
      %broadcast_in_dim3A_285 = vector.broadcast %add3A_284 : i32 to vector<16xi32>
      %gather3A_286 = tpu.vector_load_idx %arg6[%broadcast_in_dim3A_285, %iota3A] : memref<3200x16xf32, #tpu.memory_space<vmem>>[vector<16xi32>, vector<16xi32>], vector<16xf32>,
      %add3A_287 = arith.constant 4 : i32
      %add3A_288 = arith.addi %mul3A_232, %add3A_287 : i32
      %broadcast_in_dim3A_289 = vector.broadcast %add3A_288 : i32 to vector<16xi32>
      %gather3A_290 = tpu.vector_load_idx %arg6[%broadcast_in_dim3A_289, %iota3A] : memref<3200x16xf32, #tpu.memory_space<vmem>>[vector<16xi32>, vector<16xi32>], vector<16xf32>,
      %add3A_291 = arith.constant 5 : i32
      %add3A_292 = arith.addi %mul3A_232, %add3A_291 : i32
      %broadcast_in_dim3A_293 = vector.broadcast %add3A_292 : i32 to vector<16xi32>
      %gather3A_294 = tpu.vector_load_idx %arg6[%broadcast_in_dim3A_293, %iota3A] : memref<3200x16xf32, #tpu.memory_space<vmem>>[vector<16xi32>, vector<16xi32>], vector<16xf32>,
      %add3A_295 = arith.constant 6 : i32
      %add3A_296 = arith.addi %mul3A_232, %add3A_295 : i32
      %broadcast_in_dim3A_297 = vector.broadcast %add3A_296 : i32 to vector<16xi32>
      %gather3A_298 = tpu.vector_load_idx %arg6[%broadcast_in_dim3A_297, %iota3A] : memref<3200x16xf32, #tpu.memory_space<vmem>>[vector<16xi32>, vector<16xi32>], vector<16xf32>,
      %add3A_299 = arith.constant 7 : i32
      %add3A_300 = arith.addi %mul3A_232, %add3A_299 : i32
      %broadcast_in_dim3A_301 = vector.broadcast %add3A_300 : i32 to vector<16xi32>
      %gather3A_302 = tpu.vector_load_idx %arg6[%broadcast_in_dim3A_301, %iota3A] : memref<3200x16xf32, #tpu.memory_space<vmem>>[vector<16xi32>, vector<16xi32>], vector<16xf32>,
      %add3A_303 = arith.constant 8 : i32
      %add3A_304 = arith.addi %mul3A_232, %add3A_303 : i32
      %broadcast_in_dim3A_305 = vector.broadcast %add3A_304 : i32 to vector<16xi32>
      %gather3A_306 = tpu.vector_load_idx %arg6[%broadcast_in_dim3A_305, %iota3A] : memref<3200x16xf32, #tpu.memory_space<vmem>>[vector<16xi32>, vector<16xi32>], vector<16xf32>,
      %add3A_307 = arith.constant 9 : i32
      %add3A_308 = arith.addi %mul3A_232, %add3A_307 : i32
      %broadcast_in_dim3A_309 = vector.broadcast %add3A_308 : i32 to vector<16xi32>
      %gather3A_310 = tpu.vector_load_idx %arg6[%broadcast_in_dim3A_309, %iota3A] : memref<3200x16xf32, #tpu.memory_space<vmem>>[vector<16xi32>, vector<16xi32>], vector<16xf32>,
      %add3A_311 = arith.constant 10 : i32
      %add3A_312 = arith.addi %mul3A_232, %add3A_311 : i32
      %broadcast_in_dim3A_313 = vector.broadcast %add3A_312 : i32 to vector<16xi32>
      %gather3A_314 = tpu.vector_load_idx %arg6[%broadcast_in_dim3A_313, %iota3A] : memref<3200x16xf32, #tpu.memory_space<vmem>>[vector<16xi32>, vector<16xi32>], vector<16xf32>,
      %add3A_315 = arith.constant 11 : i32
      %add3A_316 = arith.addi %mul3A_232, %add3A_315 : i32
      %broadcast_in_dim3A_317 = vector.broadcast %add3A_316 : i32 to vector<16xi32>
      %gather3A_318 = tpu.vector_load_idx %arg6[%broadcast_in_dim3A_317, %iota3A] : memref<3200x16xf32, #tpu.memory_space<vmem>>[vector<16xi32>, vector<16xi32>], vector<16xf32>,
      %bitcast3A_319 = vector.bitcast %gather3A_274 : vector<16xf32> to vector<16xi32>
      %ne3A_320 = arith.constant 0 : i32
      %ne3A_321 = vector.broadcast %ne3A_320 : i32 to vector<16xi32>
      %ne3A_322 = arith.cmpi ne, %bitcast3A_319, %ne3A_321 : vector<16xi32>
      %bitcast3A_323 = vector.bitcast %gather3A_278 : vector<16xf32> to vector<16xi32>
      %ne3A_324 = arith.constant 0 : i32
      %ne3A_325 = vector.broadcast %ne3A_324 : i32 to vector<16xi32>
      %ne3A_326 = arith.cmpi ne, %bitcast3A_323, %ne3A_325 : vector<16xi32>
      %bitcast3A_327 = vector.bitcast %gather3A_282 : vector<16xf32> to vector<16xi32>
      %ne3A_328 = arith.constant 0 : i32
      %ne3A_329 = vector.broadcast %ne3A_328 : i32 to vector<16xi32>
      %ne3A_330 = arith.cmpi ne, %bitcast3A_327, %ne3A_329 : vector<16xi32>
      %bitcast3A_331 = vector.bitcast %gather3A_286 : vector<16xf32> to vector<16xi32>
      %ne3A_332 = arith.constant 0 : i32
      %ne3A_333 = vector.broadcast %ne3A_332 : i32 to vector<16xi32>
      %ne3A_334 = arith.cmpi ne, %bitcast3A_331, %ne3A_333 : vector<16xi32>
      %bitcast3A_335 = vector.bitcast %gather3A_290 : vector<16xf32> to vector<16xi32>
      %ne3A_336 = arith.constant 0 : i32
      %ne3A_337 = vector.broadcast %ne3A_336 : i32 to vector<16xi32>
      %ne3A_338 = arith.cmpi ne, %bitcast3A_335, %ne3A_337 : vector<16xi32>
      %bitcast3A_339 = vector.bitcast %gather3A_294 : vector<16xf32> to vector<16xi32>
      %ne3A_340 = arith.constant 0 : i32
      %ne3A_341 = vector.broadcast %ne3A_340 : i32 to vector<16xi32>
      %ne3A_342 = arith.cmpi ne, %bitcast3A_339, %ne3A_341 : vector<16xi32>
      %bitcast3A_343 = vector.bitcast %gather3A_298 : vector<16xf32> to vector<16xi32>
      %ne3A_344 = arith.constant 0 : i32
      %ne3A_345 = vector.broadcast %ne3A_344 : i32 to vector<16xi32>
      %ne3A_346 = arith.cmpi ne, %bitcast3A_343, %ne3A_345 : vector<16xi32>
      %bitcast3A_347 = vector.bitcast %gather3A_302 : vector<16xf32> to vector<16xi32>
      %ne3A_348 = arith.constant 0 : i32
      %ne3A_349 = vector.broadcast %ne3A_348 : i32 to vector<16xi32>
      %ne3A_350 = arith.cmpi ne, %bitcast3A_347, %ne3A_349 : vector<16xi32>
      %bitcast3A_351 = vector.bitcast %gather3A_306 : vector<16xf32> to vector<16xi32>
      %ne3A_352 = arith.constant 0 : i32
      %ne3A_353 = vector.broadcast %ne3A_352 : i32 to vector<16xi32>
      %ne3A_354 = arith.cmpi ne, %bitcast3A_351, %ne3A_353 : vector<16xi32>
      %bitcast3A_355 = vector.bitcast %gather3A_310 : vector<16xf32> to vector<16xi32>
      %ne3A_356 = arith.constant 0 : i32
      %ne3A_357 = vector.broadcast %ne3A_356 : i32 to vector<16xi32>
      %ne3A_358 = arith.cmpi ne, %bitcast3A_355, %ne3A_357 : vector<16xi32>
      %bitcast3A_359 = vector.bitcast %gather3A_314 : vector<16xf32> to vector<16xi32>
      %ne3A_360 = arith.constant 0 : i32
      %ne3A_361 = vector.broadcast %ne3A_360 : i32 to vector<16xi32>
      %ne3A_362 = arith.cmpi ne, %bitcast3A_359, %ne3A_361 : vector<16xi32>
      %bitcast3A_363 = vector.bitcast %gather3A_318 : vector<16xf32> to vector<16xi32>
      %ne3A_364 = arith.constant 0 : i32
      %ne3A_365 = vector.broadcast %ne3A_364 : i32 to vector<16xi32>
      %ne3A_366 = arith.cmpi ne, %bitcast3A_363, %ne3A_365 : vector<16xi32>
      tpu.vector_store_idx %arg7[%broadcast_in_dim3A_237, %iota3A], %gather3A_274 masked %ne3A_322 : memref<3200x16xf32, #tpu.memory_space<vmem>>[vector<16xi32>, vector<16xi32>], vector<16xf32>, vector<16xi1>
      tpu.vector_store_idx %arg7[%broadcast_in_dim3A_240, %iota3A], %gather3A_278 masked %ne3A_326 : memref<3200x16xf32, #tpu.memory_space<vmem>>[vector<16xi32>, vector<16xi32>], vector<16xf32>, vector<16xi1>
      tpu.vector_store_idx %arg7[%broadcast_in_dim3A_243, %iota3A], %gather3A_282 masked %ne3A_330 : memref<3200x16xf32, #tpu.memory_space<vmem>>[vector<16xi32>, vector<16xi32>], vector<16xf32>, vector<16xi1>
      tpu.vector_store_idx %arg7[%broadcast_in_dim3A_246, %iota3A], %gather3A_286 masked %ne3A_334 : memref<3200x16xf32, #tpu.memory_space<vmem>>[vector<16xi32>, vector<16xi32>], vector<16xf32>, vector<16xi1>
      tpu.vector_store_idx %arg7[%broadcast_in_dim3A_249, %iota3A], %gather3A_290 masked %ne3A_338 : memref<3200x16xf32, #tpu.memory_space<vmem>>[vector<16xi32>, vector<16xi32>], vector<16xf32>, vector<16xi1>
      tpu.vector_store_idx %arg7[%broadcast_in_dim3A_252, %iota3A], %gather3A_294 masked %ne3A_342 : memref<3200x16xf32, #tpu.memory_space<vmem>>[vector<16xi32>, vector<16xi32>], vector<16xf32>, vector<16xi1>
      tpu.vector_store_idx %arg7[%broadcast_in_dim3A_255, %iota3A], %gather3A_298 masked %ne3A_346 : memref<3200x16xf32, #tpu.memory_space<vmem>>[vector<16xi32>, vector<16xi32>], vector<16xf32>, vector<16xi1>
      tpu.vector_store_idx %arg7[%broadcast_in_dim3A_258, %iota3A], %gather3A_302 masked %ne3A_350 : memref<3200x16xf32, #tpu.memory_space<vmem>>[vector<16xi32>, vector<16xi32>], vector<16xf32>, vector<16xi1>
      tpu.vector_store_idx %arg7[%broadcast_in_dim3A_261, %iota3A], %gather3A_306 masked %ne3A_354 : memref<3200x16xf32, #tpu.memory_space<vmem>>[vector<16xi32>, vector<16xi32>], vector<16xf32>, vector<16xi1>
      tpu.vector_store_idx %arg7[%broadcast_in_dim3A_264, %iota3A], %gather3A_310 masked %ne3A_358 : memref<3200x16xf32, #tpu.memory_space<vmem>>[vector<16xi32>, vector<16xi32>], vector<16xf32>, vector<16xi1>
      tpu.vector_store_idx %arg7[%broadcast_in_dim3A_267, %iota3A], %gather3A_314 masked %ne3A_362 : memref<3200x16xf32, #tpu.memory_space<vmem>>[vector<16xi32>, vector<16xi32>], vector<16xf32>, vector<16xi1>
      tpu.vector_store_idx %arg7[%broadcast_in_dim3A_270, %iota3A], %gather3A_318 masked %ne3A_366 : memref<3200x16xf32, #tpu.memory_space<vmem>>[vector<16xi32>, vector<16xi32>], vector<16xf32>, vector<16xi1>
      %scan3A_367 = arith.constant 0 : i32
      scf.yield %scan3A_367 : i32
    }
    %scan3A_18 = arith.constant 260 : i32
    %get3A = arith.constant 3120 : index
    %get3A_19 = tpu.vector_load %arg5[%get3A] {strides = array<i32>} : memref<3200xi32, #tpu.memory_space<vmem>>, vector<16xi32>,
    %slice3A = vector.extract_strided_slice %get3A_19 {offsets = [0], sizes = [1], strides = [1]} : vector<16xi32> to vector<1xi32>
    %squeeze3A = vector.extract %slice3A[0] : i32 from vector<1xi32>
    %broadcast_in_dim3A_20 = vector.broadcast %squeeze3A : i32 to vector<16xi32>
    %slice3A_21 = vector.extract_strided_slice %get3A_19 {offsets = [1], sizes = [1], strides = [1]} : vector<16xi32> to vector<1xi32>
    %squeeze3A_22 = vector.extract %slice3A_21[0] : i32 from vector<1xi32>
    %broadcast_in_dim3A_23 = vector.broadcast %squeeze3A_22 : i32 to vector<16xi32>
    %slice3A_24 = vector.extract_strided_slice %get3A_19 {offsets = [2], sizes = [1], strides = [1]} : vector<16xi32> to vector<1xi32>
    %squeeze3A_25 = vector.extract %slice3A_24[0] : i32 from vector<1xi32>
    %broadcast_in_dim3A_26 = vector.broadcast %squeeze3A_25 : i32 to vector<16xi32>
    %slice3A_27 = vector.extract_strided_slice %get3A_19 {offsets = [3], sizes = [1], strides = [1]} : vector<16xi32> to vector<1xi32>
    %squeeze3A_28 = vector.extract %slice3A_27[0] : i32 from vector<1xi32>
    %broadcast_in_dim3A_29 = vector.broadcast %squeeze3A_28 : i32 to vector<16xi32>
    %slice3A_30 = vector.extract_strided_slice %get3A_19 {offsets = [4], sizes = [1], strides = [1]} : vector<16xi32> to vector<1xi32>
    %squeeze3A_31 = vector.extract %slice3A_30[0] : i32 from vector<1xi32>
    %broadcast_in_dim3A_32 = vector.broadcast %squeeze3A_31 : i32 to vector<16xi32>
    %slice3A_33 = vector.extract_strided_slice %get3A_19 {offsets = [5], sizes = [1], strides = [1]} : vector<16xi32> to vector<1xi32>
    %squeeze3A_34 = vector.extract %slice3A_33[0] : i32 from vector<1xi32>
    %broadcast_in_dim3A_35 = vector.broadcast %squeeze3A_34 : i32 to vector<16xi32>
    %slice3A_36 = vector.extract_strided_slice %get3A_19 {offsets = [6], sizes = [1], strides = [1]} : vector<16xi32> to vector<1xi32>
    %squeeze3A_37 = vector.extract %slice3A_36[0] : i32 from vector<1xi32>
    %broadcast_in_dim3A_38 = vector.broadcast %squeeze3A_37 : i32 to vector<16xi32>
    %slice3A_39 = vector.extract_strided_slice %get3A_19 {offsets = [7], sizes = [1], strides = [1]} : vector<16xi32> to vector<1xi32>
    %squeeze3A_40 = vector.extract %slice3A_39[0] : i32 from vector<1xi32>
    %broadcast_in_dim3A_41 = vector.broadcast %squeeze3A_40 : i32 to vector<16xi32>
    %slice3A_42 = vector.extract_strided_slice %get3A_19 {offsets = [8], sizes = [1], strides = [1]} : vector<16xi32> to vector<1xi32>
    %squeeze3A_43 = vector.extract %slice3A_42[0] : i32 from vector<1xi32>
    %broadcast_in_dim3A_44 = vector.broadcast %squeeze3A_43 : i32 to vector<16xi32>
    %broadcast_in_dim3A_45 = arith.constant 3120 : i32
    %broadcast_in_dim3A_46 = vector.broadcast %broadcast_in_dim3A_45 : i32 to vector<16xi32>
    %gather3A = tpu.vector_load_idx %arg6[%broadcast_in_dim3A_46, %iota3A] : memref<3200x16xf32, #tpu.memory_space<vmem>>[vector<16xi32>, vector<16xi32>], vector<16xf32>,
    %broadcast_in_dim3A_47 = arith.constant 3121 : i32
    %broadcast_in_dim3A_48 = vector.broadcast %broadcast_in_dim3A_47 : i32 to vector<16xi32>
    %gather3A_49 = tpu.vector_load_idx %arg6[%broadcast_in_dim3A_48, %iota3A] : memref<3200x16xf32, #tpu.memory_space<vmem>>[vector<16xi32>, vector<16xi32>], vector<16xf32>,
    %broadcast_in_dim3A_50 = arith.constant 3122 : i32
    %broadcast_in_dim3A_51 = vector.broadcast %broadcast_in_dim3A_50 : i32 to vector<16xi32>
    %gather3A_52 = tpu.vector_load_idx %arg6[%broadcast_in_dim3A_51, %iota3A] : memref<3200x16xf32, #tpu.memory_space<vmem>>[vector<16xi32>, vector<16xi32>], vector<16xf32>,
    %broadcast_in_dim3A_53 = arith.constant 3123 : i32
    %broadcast_in_dim3A_54 = vector.broadcast %broadcast_in_dim3A_53 : i32 to vector<16xi32>
    %gather3A_55 = tpu.vector_load_idx %arg6[%broadcast_in_dim3A_54, %iota3A] : memref<3200x16xf32, #tpu.memory_space<vmem>>[vector<16xi32>, vector<16xi32>], vector<16xf32>,
    %broadcast_in_dim3A_56 = arith.constant 3124 : i32
    %broadcast_in_dim3A_57 = vector.broadcast %broadcast_in_dim3A_56 : i32 to vector<16xi32>
    %gather3A_58 = tpu.vector_load_idx %arg6[%broadcast_in_dim3A_57, %iota3A] : memref<3200x16xf32, #tpu.memory_space<vmem>>[vector<16xi32>, vector<16xi32>], vector<16xf32>,
    %broadcast_in_dim3A_59 = arith.constant 3125 : i32
    %broadcast_in_dim3A_60 = vector.broadcast %broadcast_in_dim3A_59 : i32 to vector<16xi32>
    %gather3A_61 = tpu.vector_load_idx %arg6[%broadcast_in_dim3A_60, %iota3A] : memref<3200x16xf32, #tpu.memory_space<vmem>>[vector<16xi32>, vector<16xi32>], vector<16xf32>,
    %broadcast_in_dim3A_62 = arith.constant 3126 : i32
    %broadcast_in_dim3A_63 = vector.broadcast %broadcast_in_dim3A_62 : i32 to vector<16xi32>
    %gather3A_64 = tpu.vector_load_idx %arg6[%broadcast_in_dim3A_63, %iota3A] : memref<3200x16xf32, #tpu.memory_space<vmem>>[vector<16xi32>, vector<16xi32>], vector<16xf32>,
    %broadcast_in_dim3A_65 = arith.constant 3127 : i32
    %broadcast_in_dim3A_66 = vector.broadcast %broadcast_in_dim3A_65 : i32 to vector<16xi32>
    %gather3A_67 = tpu.vector_load_idx %arg6[%broadcast_in_dim3A_66, %iota3A] : memref<3200x16xf32, #tpu.memory_space<vmem>>[vector<16xi32>, vector<16xi32>], vector<16xf32>,
    %broadcast_in_dim3A_68 = arith.constant 3128 : i32
    %broadcast_in_dim3A_69 = vector.broadcast %broadcast_in_dim3A_68 : i32 to vector<16xi32>
    %gather3A_70 = tpu.vector_load_idx %arg6[%broadcast_in_dim3A_69, %iota3A] : memref<3200x16xf32, #tpu.memory_space<vmem>>[vector<16xi32>, vector<16xi32>], vector<16xf32>,
    %bitcast3A = vector.bitcast %gather3A : vector<16xf32> to vector<16xi32>
    %ne3A = arith.constant 0 : i32
    %ne3A_71 = vector.broadcast %ne3A : i32 to vector<16xi32>
    %ne3A_72 = arith.cmpi ne, %bitcast3A, %ne3A_71 : vector<16xi32>
    %bitcast3A_73 = vector.bitcast %gather3A_49 : vector<16xf32> to vector<16xi32>
    %ne3A_74 = arith.constant 0 : i32
    %ne3A_75 = vector.broadcast %ne3A_74 : i32 to vector<16xi32>
    %ne3A_76 = arith.cmpi ne, %bitcast3A_73, %ne3A_75 : vector<16xi32>
    %bitcast3A_77 = vector.bitcast %gather3A_52 : vector<16xf32> to vector<16xi32>
    %ne3A_78 = arith.constant 0 : i32
    %ne3A_79 = vector.broadcast %ne3A_78 : i32 to vector<16xi32>
    %ne3A_80 = arith.cmpi ne, %bitcast3A_77, %ne3A_79 : vector<16xi32>
    %bitcast3A_81 = vector.bitcast %gather3A_55 : vector<16xf32> to vector<16xi32>
    %ne3A_82 = arith.constant 0 : i32
    %ne3A_83 = vector.broadcast %ne3A_82 : i32 to vector<16xi32>
    %ne3A_84 = arith.cmpi ne, %bitcast3A_81, %ne3A_83 : vector<16xi32>
    %bitcast3A_85 = vector.bitcast %gather3A_58 : vector<16xf32> to vector<16xi32>
    %ne3A_86 = arith.constant 0 : i32
    %ne3A_87 = vector.broadcast %ne3A_86 : i32 to vector<16xi32>
    %ne3A_88 = arith.cmpi ne, %bitcast3A_85, %ne3A_87 : vector<16xi32>
    %bitcast3A_89 = vector.bitcast %gather3A_61 : vector<16xf32> to vector<16xi32>
    %ne3A_90 = arith.constant 0 : i32
    %ne3A_91 = vector.broadcast %ne3A_90 : i32 to vector<16xi32>
    %ne3A_92 = arith.cmpi ne, %bitcast3A_89, %ne3A_91 : vector<16xi32>
    %bitcast3A_93 = vector.bitcast %gather3A_64 : vector<16xf32> to vector<16xi32>
    %ne3A_94 = arith.constant 0 : i32
    %ne3A_95 = vector.broadcast %ne3A_94 : i32 to vector<16xi32>
    %ne3A_96 = arith.cmpi ne, %bitcast3A_93, %ne3A_95 : vector<16xi32>
    %bitcast3A_97 = vector.bitcast %gather3A_67 : vector<16xf32> to vector<16xi32>
    %ne3A_98 = arith.constant 0 : i32
    %ne3A_99 = vector.broadcast %ne3A_98 : i32 to vector<16xi32>
    %ne3A_100 = arith.cmpi ne, %bitcast3A_97, %ne3A_99 : vector<16xi32>
    %bitcast3A_101 = vector.bitcast %gather3A_70 : vector<16xf32> to vector<16xi32>
    %ne3A_102 = arith.constant 0 : i32
    %ne3A_103 = vector.broadcast %ne3A_102 : i32 to vector<16xi32>
    %ne3A_104 = arith.cmpi ne, %bitcast3A_101, %ne3A_103 : vector<16xi32>
    tpu.vector_store_idx %arg7[%broadcast_in_dim3A_20, %iota3A], %gather3A masked %ne3A_72 : memref<3200x16xf32, #tpu.memory_space<vmem>>[vector<16xi32>, vector<16xi32>], vector<16xf32>, vector<16xi1>
    tpu.vector_store_idx %arg7[%broadcast_in_dim3A_23, %iota3A], %gather3A_49 masked %ne3A_76 : memref<3200x16xf32, #tpu.memory_space<vmem>>[vector<16xi32>, vector<16xi32>], vector<16xf32>, vector<16xi1>
    tpu.vector_store_idx %arg7[%broadcast_in_dim3A_26, %iota3A], %gather3A_52 masked %ne3A_80 : memref<3200x16xf32, #tpu.memory_space<vmem>>[vector<16xi32>, vector<16xi32>], vector<16xf32>, vector<16xi1>
    tpu.vector_store_idx %arg7[%broadcast_in_dim3A_29, %iota3A], %gather3A_55 masked %ne3A_84 : memref<3200x16xf32, #tpu.memory_space<vmem>>[vector<16xi32>, vector<16xi32>], vector<16xf32>, vector<16xi1>
    tpu.vector_store_idx %arg7[%broadcast_in_dim3A_32, %iota3A], %gather3A_58 masked %ne3A_88 : memref<3200x16xf32, #tpu.memory_space<vmem>>[vector<16xi32>, vector<16xi32>], vector<16xf32>, vector<16xi1>
    tpu.vector_store_idx %arg7[%broadcast_in_dim3A_35, %iota3A], %gather3A_61 masked %ne3A_92 : memref<3200x16xf32, #tpu.memory_space<vmem>>[vector<16xi32>, vector<16xi32>], vector<16xf32>, vector<16xi1>
    tpu.vector_store_idx %arg7[%broadcast_in_dim3A_38, %iota3A], %gather3A_64 masked %ne3A_96 : memref<3200x16xf32, #tpu.memory_space<vmem>>[vector<16xi32>, vector<16xi32>], vector<16xf32>, vector<16xi1>
    tpu.vector_store_idx %arg7[%broadcast_in_dim3A_41, %iota3A], %gather3A_67 masked %ne3A_100 : memref<3200x16xf32, #tpu.memory_space<vmem>>[vector<16xi32>, vector<16xi32>], vector<16xf32>, vector<16xi1>
    tpu.vector_store_idx %arg7[%broadcast_in_dim3A_44, %iota3A], %gather3A_70 masked %ne3A_104 : memref<3200x16xf32, #tpu.memory_space<vmem>>[vector<16xi32>, vector<16xi32>], vector<16xf32>, vector<16xi1>
    %dma_start3A = arith.constant 0 : i32
    %dma_start3A_105 = tpu.memref_slice %arg4[%dma_start3A, %add3A_5] : memref<3200x1024xf32, #tpu.memory_space<hbm>> -> memref<3200x16xf32, #tpu.memory_space<hbm>>
    %dma_start3A_106 = arith.constant 0 : i32
    %dma_start3A_107 = tpu.memref_slice %arg4[%dma_start3A_106, %add3A_5] : memref<3200x1024xf32, #tpu.memory_space<hbm>> -> memref<3200x16xf32, #tpu.memory_space<hbm>>
    tpu.enqueue_dma source(%arg7 : memref<3200x16xf32, #tpu.memory_space<vmem>>) target(%dma_start3A_107 : memref<3200x16xf32, #tpu.memory_space<hbm>>) target_semaphore(%arg8 : memref<!tpu.dma_semaphore, #tpu.memory_space<semaphore_mem>>)
    %mul3A_108 = arith.constant 32 : i32
    %mul3A_109 = arith.muli %add3A, %mul3A_108 : i32
    %add3A_110 = arith.constant 16 : i32
    %add3A_111 = arith.addi %mul3A_109, %add3A_110 : i32
    "tpu.region"() ({
      %run_scoped3A = tpu.sem_alloc : memref<!tpu.dma_semaphore, #tpu.memory_space<semaphore_mem>>
      %dma_start3A_229 = arith.constant 0 : i32
      %dma_start3A_230 = tpu.memref_slice %arg2[%dma_start3A_229, %add3A_111] : memref<3200x1024xf32, #tpu.memory_space<hbm>> -> memref<3200x16xf32, #tpu.memory_space<hbm>>
      %dma_start3A_231 = arith.constant 0 : i32
      %dma_start3A_232 = tpu.memref_slice %arg2[%dma_start3A_231, %add3A_111] : memref<3200x1024xf32, #tpu.memory_space<hbm>> -> memref<3200x16xf32, #tpu.memory_space<hbm>>
      tpu.enqueue_dma source(%dma_start3A_232 : memref<3200x16xf32, #tpu.memory_space<hbm>>) target(%arg6 : memref<3200x16xf32, #tpu.memory_space<vmem>>) target_semaphore(%run_scoped3A : memref<!tpu.dma_semaphore, #tpu.memory_space<semaphore_mem>>)
      %dma_wait3A_233 = arith.constant 0 : i32
      %dma_wait3A_234 = tpu.memref_slice %arg2[%dma_wait3A_233, %add3A_111] : memref<3200x1024xf32, #tpu.memory_space<hbm>> -> memref<3200x16xf32, #tpu.memory_space<hbm>>
      %dma_wait3A_235 = arith.constant 0 : i32
      %dma_wait3A_236 = tpu.memref_slice %arg2[%dma_wait3A_235, %add3A_111] : memref<3200x1024xf32, #tpu.memory_space<hbm>> -> memref<3200x16xf32, #tpu.memory_space<hbm>>
      tpu.wait_dma2 semaphore(%run_scoped3A : memref<!tpu.dma_semaphore, #tpu.memory_space<semaphore_mem>>) src(%dma_wait3A_236 : memref<3200x16xf32, #tpu.memory_space<hbm>>) dst(%arg6 : memref<3200x16xf32, #tpu.memory_space<vmem>>)
      tpu.yield
    }) : () -> ()
    %dma_wait3A = arith.constant 0 : i32
    %dma_wait3A_112 = tpu.memref_slice %arg4[%dma_wait3A, %add3A_5] : memref<3200x1024xf32, #tpu.memory_space<hbm>> -> memref<3200x16xf32, #tpu.memory_space<hbm>>
    %dma_wait3A_113 = arith.constant 0 : i32
    %dma_wait3A_114 = tpu.memref_slice %arg4[%dma_wait3A_113, %add3A_5] : memref<3200x1024xf32, #tpu.memory_space<hbm>> -> memref<3200x16xf32, #tpu.memory_space<hbm>>
    tpu.wait_dma2 semaphore(%arg8 : memref<!tpu.dma_semaphore, #tpu.memory_space<semaphore_mem>>) src(%arg7 : memref<3200x16xf32, #tpu.memory_space<vmem>>) dst(%dma_wait3A_114 : memref<3200x16xf32, #tpu.memory_space<hbm>>)
    %scan3A_115 = arith.constant 0 : i32
    %scan3A_116 = arith.constant 0 : i32
    %scan3A_117 = arith.constant 400 : i32
    %scan3A_118 = arith.addi %scan3A_116, %scan3A_117 : i32
    %scan3A_119 = arith.constant 1 : i32
    %scan3A_120 = scf.for %scan3A_229 = %scan3A_116 to %scan3A_118 step %scan3A_119 iter_args(%scan3A_230 = %scan3A_115) -> (i32)  : i32 {
      %mul3A_231 = arith.constant 8 : i32
      %mul3A_232 = arith.muli %scan3A_229, %mul3A_231 : i32
      %add3A_233 = arith.constant 0 : i32
      %add3A_234 = arith.addi %mul3A_232, %add3A_233 : i32
      %swap3A = arith.index_cast %add3A_234 : i32 to index
      %swap3A_235 = arith.constant 0 : index
      %swap3A_236 = tpu.vector_load %arg7[%swap3A, %swap3A_235] {strides = array<i32>} : memref<3200x16xf32, #tpu.memory_space<vmem>>, vector<16xf32>,
      tpu.vector_store %arg7[%swap3A, %swap3A_235], %broadcast_in_dim3A_1 {strides = array<i32>} : memref<3200x16xf32, #tpu.memory_space<vmem>>, vector<16xf32>,
      %mul3A_237 = arith.constant 8 : i32
      %mul3A_238 = arith.muli %scan3A_229, %mul3A_237 : i32
      %add3A_239 = arith.constant 1 : i32
      %add3A_240 = arith.addi %mul3A_238, %add3A_239 : i32
      %swap3A_241 = arith.index_cast %add3A_240 : i32 to index
      %swap3A_242 = arith.constant 0 : index
      %swap3A_243 = tpu.vector_load %arg7[%swap3A_241, %swap3A_242] {strides = array<i32>} : memref<3200x16xf32, #tpu.memory_space<vmem>>, vector<16xf32>,
      tpu.vector_store %arg7[%swap3A_241, %swap3A_242], %broadcast_in_dim3A_1 {strides = array<i32>} : memref<3200x16xf32, #tpu.memory_space<vmem>>, vector<16xf32>,
      %mul3A_244 = arith.constant 8 : i32
      %mul3A_245 = arith.muli %scan3A_229, %mul3A_244 : i32
      %add3A_246 = arith.constant 2 : i32
      %add3A_247 = arith.addi %mul3A_245, %add3A_246 : i32
      %swap3A_248 = arith.index_cast %add3A_247 : i32 to index
      %swap3A_249 = arith.constant 0 : index
      %swap3A_250 = tpu.vector_load %arg7[%swap3A_248, %swap3A_249] {strides = array<i32>} : memref<3200x16xf32, #tpu.memory_space<vmem>>, vector<16xf32>,
      tpu.vector_store %arg7[%swap3A_248, %swap3A_249], %broadcast_in_dim3A_1 {strides = array<i32>} : memref<3200x16xf32, #tpu.memory_space<vmem>>, vector<16xf32>,
      %mul3A_251 = arith.constant 8 : i32
      %mul3A_252 = arith.muli %scan3A_229, %mul3A_251 : i32
      %add3A_253 = arith.constant 3 : i32
      %add3A_254 = arith.addi %mul3A_252, %add3A_253 : i32
      %swap3A_255 = arith.index_cast %add3A_254 : i32 to index
      %swap3A_256 = arith.constant 0 : index
      %swap3A_257 = tpu.vector_load %arg7[%swap3A_255, %swap3A_256] {strides = array<i32>} : memref<3200x16xf32, #tpu.memory_space<vmem>>, vector<16xf32>,
      tpu.vector_store %arg7[%swap3A_255, %swap3A_256], %broadcast_in_dim3A_1 {strides = array<i32>} : memref<3200x16xf32, #tpu.memory_space<vmem>>, vector<16xf32>,
      %mul3A_258 = arith.constant 8 : i32
      %mul3A_259 = arith.muli %scan3A_229, %mul3A_258 : i32
      %add3A_260 = arith.constant 4 : i32
      %add3A_261 = arith.addi %mul3A_259, %add3A_260 : i32
      %swap3A_262 = arith.index_cast %add3A_261 : i32 to index
      %swap3A_263 = arith.constant 0 : index
      %swap3A_264 = tpu.vector_load %arg7[%swap3A_262, %swap3A_263] {strides = array<i32>} : memref<3200x16xf32, #tpu.memory_space<vmem>>, vector<16xf32>,
      tpu.vector_store %arg7[%swap3A_262, %swap3A_263], %broadcast_in_dim3A_1 {strides = array<i32>} : memref<3200x16xf32, #tpu.memory_space<vmem>>, vector<16xf32>,
      %mul3A_265 = arith.constant 8 : i32
      %mul3A_266 = arith.muli %scan3A_229, %mul3A_265 : i32
      %add3A_267 = arith.constant 5 : i32
      %add3A_268 = arith.addi %mul3A_266, %add3A_267 : i32
      %swap3A_269 = arith.index_cast %add3A_268 : i32 to index
      %swap3A_270 = arith.constant 0 : index
      %swap3A_271 = tpu.vector_load %arg7[%swap3A_269, %swap3A_270] {strides = array<i32>} : memref<3200x16xf32, #tpu.memory_space<vmem>>, vector<16xf32>,
      tpu.vector_store %arg7[%swap3A_269, %swap3A_270], %broadcast_in_dim3A_1 {strides = array<i32>} : memref<3200x16xf32, #tpu.memory_space<vmem>>, vector<16xf32>,
      %mul3A_272 = arith.constant 8 : i32
      %mul3A_273 = arith.muli %scan3A_229, %mul3A_272 : i32
      %add3A_274 = arith.constant 6 : i32
      %add3A_275 = arith.addi %mul3A_273, %add3A_274 : i32
      %swap3A_276 = arith.index_cast %add3A_275 : i32 to index
      %swap3A_277 = arith.constant 0 : index
      %swap3A_278 = tpu.vector_load %arg7[%swap3A_276, %swap3A_277] {strides = array<i32>} : memref<3200x16xf32, #tpu.memory_space<vmem>>, vector<16xf32>,
      tpu.vector_store %arg7[%swap3A_276, %swap3A_277], %broadcast_in_dim3A_1 {strides = array<i32>} : memref<3200x16xf32, #tpu.memory_space<vmem>>, vector<16xf32>,
      %mul3A_279 = arith.constant 8 : i32
      %mul3A_280 = arith.muli %scan3A_229, %mul3A_279 : i32
      %add3A_281 = arith.constant 7 : i32
      %add3A_282 = arith.addi %mul3A_280, %add3A_281 : i32
      %swap3A_283 = arith.index_cast %add3A_282 : i32 to index
      %swap3A_284 = arith.constant 0 : index
      %swap3A_285 = tpu.vector_load %arg7[%swap3A_283, %swap3A_284] {strides = array<i32>} : memref<3200x16xf32, #tpu.memory_space<vmem>>, vector<16xf32>,
      tpu.vector_store %arg7[%swap3A_283, %swap3A_284], %broadcast_in_dim3A_1 {strides = array<i32>} : memref<3200x16xf32, #tpu.memory_space<vmem>>, vector<16xf32>,
      %scan3A_286 = arith.constant 0 : i32
      scf.yield %scan3A_286 : i32
    }
    %scan3A_121 = arith.constant 400 : i32
    %scan3A_122 = arith.constant 0 : i32
    %scan3A_123 = arith.constant 0 : i32
    %scan3A_124 = arith.constant 260 : i32
    %scan3A_125 = arith.addi %scan3A_123, %scan3A_124 : i32
    %scan3A_126 = arith.constant 1 : i32
    %scan3A_127 = scf.for %scan3A_229 = %scan3A_123 to %scan3A_125 step %scan3A_126 iter_args(%scan3A_230 = %scan3A_122) -> (i32)  : i32 {
      %mul3A_231 = arith.constant 12 : i32
      %mul3A_232 = arith.muli %scan3A_229, %mul3A_231 : i32
      %get3A_233 = arith.index_cast %mul3A_232 : i32 to index
      %get3A_234 = tpu.vector_load %arg5[%get3A_233] {strides = array<i32>} : memref<3200xi32, #tpu.memory_space<vmem>>, vector<16xi32>,
      %slice3A_235 = vector.extract_strided_slice %get3A_234 {offsets = [0], sizes = [1], strides = [1]} : vector<16xi32> to vector<1xi32>
      %squeeze3A_236 = vector.extract %slice3A_235[0] : i32 from vector<1xi32>
      %broadcast_in_dim3A_237 = vector.broadcast %squeeze3A_236 : i32 to vector<16xi32>
      %slice3A_238 = vector.extract_strided_slice %get3A_234 {offsets = [1], sizes = [1], strides = [1]} : vector<16xi32> to vector<1xi32>
      %squeeze3A_239 = vector.extract %slice3A_238[0] : i32 from vector<1xi32>
      %broadcast_in_dim3A_240 = vector.broadcast %squeeze3A_239 : i32 to vector<16xi32>
      %slice3A_241 = vector.extract_strided_slice %get3A_234 {offsets = [2], sizes = [1], strides = [1]} : vector<16xi32> to vector<1xi32>
      %squeeze3A_242 = vector.extract %slice3A_241[0] : i32 from vector<1xi32>
      %broadcast_in_dim3A_243 = vector.broadcast %squeeze3A_242 : i32 to vector<16xi32>
      %slice3A_244 = vector.extract_strided_slice %get3A_234 {offsets = [3], sizes = [1], strides = [1]} : vector<16xi32> to vector<1xi32>
      %squeeze3A_245 = vector.extract %slice3A_244[0] : i32 from vector<1xi32>
      %broadcast_in_dim3A_246 = vector.broadcast %squeeze3A_245 : i32 to vector<16xi32>
      %slice3A_247 = vector.extract_strided_slice %get3A_234 {offsets = [4], sizes = [1], strides = [1]} : vector<16xi32> to vector<1xi32>
      %squeeze3A_248 = vector.extract %slice3A_247[0] : i32 from vector<1xi32>
      %broadcast_in_dim3A_249 = vector.broadcast %squeeze3A_248 : i32 to vector<16xi32>
      %slice3A_250 = vector.extract_strided_slice %get3A_234 {offsets = [5], sizes = [1], strides = [1]} : vector<16xi32> to vector<1xi32>
      %squeeze3A_251 = vector.extract %slice3A_250[0] : i32 from vector<1xi32>
      %broadcast_in_dim3A_252 = vector.broadcast %squeeze3A_251 : i32 to vector<16xi32>
      %slice3A_253 = vector.extract_strided_slice %get3A_234 {offsets = [6], sizes = [1], strides = [1]} : vector<16xi32> to vector<1xi32>
      %squeeze3A_254 = vector.extract %slice3A_253[0] : i32 from vector<1xi32>
      %broadcast_in_dim3A_255 = vector.broadcast %squeeze3A_254 : i32 to vector<16xi32>
      %slice3A_256 = vector.extract_strided_slice %get3A_234 {offsets = [7], sizes = [1], strides = [1]} : vector<16xi32> to vector<1xi32>
      %squeeze3A_257 = vector.extract %slice3A_256[0] : i32 from vector<1xi32>
      %broadcast_in_dim3A_258 = vector.broadcast %squeeze3A_257 : i32 to vector<16xi32>
      %slice3A_259 = vector.extract_strided_slice %get3A_234 {offsets = [8], sizes = [1], strides = [1]} : vector<16xi32> to vector<1xi32>
      %squeeze3A_260 = vector.extract %slice3A_259[0] : i32 from vector<1xi32>
      %broadcast_in_dim3A_261 = vector.broadcast %squeeze3A_260 : i32 to vector<16xi32>
      %slice3A_262 = vector.extract_strided_slice %get3A_234 {offsets = [9], sizes = [1], strides = [1]} : vector<16xi32> to vector<1xi32>
      %squeeze3A_263 = vector.extract %slice3A_262[0] : i32 from vector<1xi32>
      %broadcast_in_dim3A_264 = vector.broadcast %squeeze3A_263 : i32 to vector<16xi32>
      %slice3A_265 = vector.extract_strided_slice %get3A_234 {offsets = [10], sizes = [1], strides = [1]} : vector<16xi32> to vector<1xi32>
      %squeeze3A_266 = vector.extract %slice3A_265[0] : i32 from vector<1xi32>
      %broadcast_in_dim3A_267 = vector.broadcast %squeeze3A_266 : i32 to vector<16xi32>
      %slice3A_268 = vector.extract_strided_slice %get3A_234 {offsets = [11], sizes = [1], strides = [1]} : vector<16xi32> to vector<1xi32>
      %squeeze3A_269 = vector.extract %slice3A_268[0] : i32 from vector<1xi32>
      %broadcast_in_dim3A_270 = vector.broadcast %squeeze3A_269 : i32 to vector<16xi32>
      %add3A_271 = arith.constant 0 : i32
      %add3A_272 = arith.addi %mul3A_232, %add3A_271 : i32
      %broadcast_in_dim3A_273 = vector.broadcast %add3A_272 : i32 to vector<16xi32>
      %gather3A_274 = tpu.vector_load_idx %arg6[%broadcast_in_dim3A_273, %iota3A] : memref<3200x16xf32, #tpu.memory_space<vmem>>[vector<16xi32>, vector<16xi32>], vector<16xf32>,
      %add3A_275 = arith.constant 1 : i32
      %add3A_276 = arith.addi %mul3A_232, %add3A_275 : i32
      %broadcast_in_dim3A_277 = vector.broadcast %add3A_276 : i32 to vector<16xi32>
      %gather3A_278 = tpu.vector_load_idx %arg6[%broadcast_in_dim3A_277, %iota3A] : memref<3200x16xf32, #tpu.memory_space<vmem>>[vector<16xi32>, vector<16xi32>], vector<16xf32>,
      %add3A_279 = arith.constant 2 : i32
      %add3A_280 = arith.addi %mul3A_232, %add3A_279 : i32
      %broadcast_in_dim3A_281 = vector.broadcast %add3A_280 : i32 to vector<16xi32>
      %gather3A_282 = tpu.vector_load_idx %arg6[%broadcast_in_dim3A_281, %iota3A] : memref<3200x16xf32, #tpu.memory_space<vmem>>[vector<16xi32>, vector<16xi32>], vector<16xf32>,
      %add3A_283 = arith.constant 3 : i32
      %add3A_284 = arith.addi %mul3A_232, %add3A_283 : i32
      %broadcast_in_dim3A_285 = vector.broadcast %add3A_284 : i32 to vector<16xi32>
      %gather3A_286 = tpu.vector_load_idx %arg6[%broadcast_in_dim3A_285, %iota3A] : memref<3200x16xf32, #tpu.memory_space<vmem>>[vector<16xi32>, vector<16xi32>], vector<16xf32>,
      %add3A_287 = arith.constant 4 : i32
      %add3A_288 = arith.addi %mul3A_232, %add3A_287 : i32
      %broadcast_in_dim3A_289 = vector.broadcast %add3A_288 : i32 to vector<16xi32>
      %gather3A_290 = tpu.vector_load_idx %arg6[%broadcast_in_dim3A_289, %iota3A] : memref<3200x16xf32, #tpu.memory_space<vmem>>[vector<16xi32>, vector<16xi32>], vector<16xf32>,
      %add3A_291 = arith.constant 5 : i32
      %add3A_292 = arith.addi %mul3A_232, %add3A_291 : i32
      %broadcast_in_dim3A_293 = vector.broadcast %add3A_292 : i32 to vector<16xi32>
      %gather3A_294 = tpu.vector_load_idx %arg6[%broadcast_in_dim3A_293, %iota3A] : memref<3200x16xf32, #tpu.memory_space<vmem>>[vector<16xi32>, vector<16xi32>], vector<16xf32>,
      %add3A_295 = arith.constant 6 : i32
      %add3A_296 = arith.addi %mul3A_232, %add3A_295 : i32
      %broadcast_in_dim3A_297 = vector.broadcast %add3A_296 : i32 to vector<16xi32>
      %gather3A_298 = tpu.vector_load_idx %arg6[%broadcast_in_dim3A_297, %iota3A] : memref<3200x16xf32, #tpu.memory_space<vmem>>[vector<16xi32>, vector<16xi32>], vector<16xf32>,
      %add3A_299 = arith.constant 7 : i32
      %add3A_300 = arith.addi %mul3A_232, %add3A_299 : i32
      %broadcast_in_dim3A_301 = vector.broadcast %add3A_300 : i32 to vector<16xi32>
      %gather3A_302 = tpu.vector_load_idx %arg6[%broadcast_in_dim3A_301, %iota3A] : memref<3200x16xf32, #tpu.memory_space<vmem>>[vector<16xi32>, vector<16xi32>], vector<16xf32>,
      %add3A_303 = arith.constant 8 : i32
      %add3A_304 = arith.addi %mul3A_232, %add3A_303 : i32
      %broadcast_in_dim3A_305 = vector.broadcast %add3A_304 : i32 to vector<16xi32>
      %gather3A_306 = tpu.vector_load_idx %arg6[%broadcast_in_dim3A_305, %iota3A] : memref<3200x16xf32, #tpu.memory_space<vmem>>[vector<16xi32>, vector<16xi32>], vector<16xf32>,
      %add3A_307 = arith.constant 9 : i32
      %add3A_308 = arith.addi %mul3A_232, %add3A_307 : i32
      %broadcast_in_dim3A_309 = vector.broadcast %add3A_308 : i32 to vector<16xi32>
      %gather3A_310 = tpu.vector_load_idx %arg6[%broadcast_in_dim3A_309, %iota3A] : memref<3200x16xf32, #tpu.memory_space<vmem>>[vector<16xi32>, vector<16xi32>], vector<16xf32>,
      %add3A_311 = arith.constant 10 : i32
      %add3A_312 = arith.addi %mul3A_232, %add3A_311 : i32
      %broadcast_in_dim3A_313 = vector.broadcast %add3A_312 : i32 to vector<16xi32>
      %gather3A_314 = tpu.vector_load_idx %arg6[%broadcast_in_dim3A_313, %iota3A] : memref<3200x16xf32, #tpu.memory_space<vmem>>[vector<16xi32>, vector<16xi32>], vector<16xf32>,
      %add3A_315 = arith.constant 11 : i32
      %add3A_316 = arith.addi %mul3A_232, %add3A_315 : i32
      %broadcast_in_dim3A_317 = vector.broadcast %add3A_316 : i32 to vector<16xi32>
      %gather3A_318 = tpu.vector_load_idx %arg6[%broadcast_in_dim3A_317, %iota3A] : memref<3200x16xf32, #tpu.memory_space<vmem>>[vector<16xi32>, vector<16xi32>], vector<16xf32>,
      %bitcast3A_319 = vector.bitcast %gather3A_274 : vector<16xf32> to vector<16xi32>
      %ne3A_320 = arith.constant 0 : i32
      %ne3A_321 = vector.broadcast %ne3A_320 : i32 to vector<16xi32>
      %ne3A_322 = arith.cmpi ne, %bitcast3A_319, %ne3A_321 : vector<16xi32>
      %bitcast3A_323 = vector.bitcast %gather3A_278 : vector<16xf32> to vector<16xi32>
      %ne3A_324 = arith.constant 0 : i32
      %ne3A_325 = vector.broadcast %ne3A_324 : i32 to vector<16xi32>
      %ne3A_326 = arith.cmpi ne, %bitcast3A_323, %ne3A_325 : vector<16xi32>
      %bitcast3A_327 = vector.bitcast %gather3A_282 : vector<16xf32> to vector<16xi32>
      %ne3A_328 = arith.constant 0 : i32
      %ne3A_329 = vector.broadcast %ne3A_328 : i32 to vector<16xi32>
      %ne3A_330 = arith.cmpi ne, %bitcast3A_327, %ne3A_329 : vector<16xi32>
      %bitcast3A_331 = vector.bitcast %gather3A_286 : vector<16xf32> to vector<16xi32>
      %ne3A_332 = arith.constant 0 : i32
      %ne3A_333 = vector.broadcast %ne3A_332 : i32 to vector<16xi32>
      %ne3A_334 = arith.cmpi ne, %bitcast3A_331, %ne3A_333 : vector<16xi32>
      %bitcast3A_335 = vector.bitcast %gather3A_290 : vector<16xf32> to vector<16xi32>
      %ne3A_336 = arith.constant 0 : i32
      %ne3A_337 = vector.broadcast %ne3A_336 : i32 to vector<16xi32>
      %ne3A_338 = arith.cmpi ne, %bitcast3A_335, %ne3A_337 : vector<16xi32>
      %bitcast3A_339 = vector.bitcast %gather3A_294 : vector<16xf32> to vector<16xi32>
      %ne3A_340 = arith.constant 0 : i32
      %ne3A_341 = vector.broadcast %ne3A_340 : i32 to vector<16xi32>
      %ne3A_342 = arith.cmpi ne, %bitcast3A_339, %ne3A_341 : vector<16xi32>
      %bitcast3A_343 = vector.bitcast %gather3A_298 : vector<16xf32> to vector<16xi32>
      %ne3A_344 = arith.constant 0 : i32
      %ne3A_345 = vector.broadcast %ne3A_344 : i32 to vector<16xi32>
      %ne3A_346 = arith.cmpi ne, %bitcast3A_343, %ne3A_345 : vector<16xi32>
      %bitcast3A_347 = vector.bitcast %gather3A_302 : vector<16xf32> to vector<16xi32>
      %ne3A_348 = arith.constant 0 : i32
      %ne3A_349 = vector.broadcast %ne3A_348 : i32 to vector<16xi32>
      %ne3A_350 = arith.cmpi ne, %bitcast3A_347, %ne3A_349 : vector<16xi32>
      %bitcast3A_351 = vector.bitcast %gather3A_306 : vector<16xf32> to vector<16xi32>
      %ne3A_352 = arith.constant 0 : i32
      %ne3A_353 = vector.broadcast %ne3A_352 : i32 to vector<16xi32>
      %ne3A_354 = arith.cmpi ne, %bitcast3A_351, %ne3A_353 : vector<16xi32>
      %bitcast3A_355 = vector.bitcast %gather3A_310 : vector<16xf32> to vector<16xi32>
      %ne3A_356 = arith.constant 0 : i32
      %ne3A_357 = vector.broadcast %ne3A_356 : i32 to vector<16xi32>
      %ne3A_358 = arith.cmpi ne, %bitcast3A_355, %ne3A_357 : vector<16xi32>
      %bitcast3A_359 = vector.bitcast %gather3A_314 : vector<16xf32> to vector<16xi32>
      %ne3A_360 = arith.constant 0 : i32
      %ne3A_361 = vector.broadcast %ne3A_360 : i32 to vector<16xi32>
      %ne3A_362 = arith.cmpi ne, %bitcast3A_359, %ne3A_361 : vector<16xi32>
      %bitcast3A_363 = vector.bitcast %gather3A_318 : vector<16xf32> to vector<16xi32>
      %ne3A_364 = arith.constant 0 : i32
      %ne3A_365 = vector.broadcast %ne3A_364 : i32 to vector<16xi32>
      %ne3A_366 = arith.cmpi ne, %bitcast3A_363, %ne3A_365 : vector<16xi32>
      tpu.vector_store_idx %arg7[%broadcast_in_dim3A_237, %iota3A], %gather3A_274 masked %ne3A_322 : memref<3200x16xf32, #tpu.memory_space<vmem>>[vector<16xi32>, vector<16xi32>], vector<16xf32>, vector<16xi1>
      tpu.vector_store_idx %arg7[%broadcast_in_dim3A_240, %iota3A], %gather3A_278 masked %ne3A_326 : memref<3200x16xf32, #tpu.memory_space<vmem>>[vector<16xi32>, vector<16xi32>], vector<16xf32>, vector<16xi1>
      tpu.vector_store_idx %arg7[%broadcast_in_dim3A_243, %iota3A], %gather3A_282 masked %ne3A_330 : memref<3200x16xf32, #tpu.memory_space<vmem>>[vector<16xi32>, vector<16xi32>], vector<16xf32>, vector<16xi1>
      tpu.vector_store_idx %arg7[%broadcast_in_dim3A_246, %iota3A], %gather3A_286 masked %ne3A_334 : memref<3200x16xf32, #tpu.memory_space<vmem>>[vector<16xi32>, vector<16xi32>], vector<16xf32>, vector<16xi1>
      tpu.vector_store_idx %arg7[%broadcast_in_dim3A_249, %iota3A], %gather3A_290 masked %ne3A_338 : memref<3200x16xf32, #tpu.memory_space<vmem>>[vector<16xi32>, vector<16xi32>], vector<16xf32>, vector<16xi1>
      tpu.vector_store_idx %arg7[%broadcast_in_dim3A_252, %iota3A], %gather3A_294 masked %ne3A_342 : memref<3200x16xf32, #tpu.memory_space<vmem>>[vector<16xi32>, vector<16xi32>], vector<16xf32>, vector<16xi1>
      tpu.vector_store_idx %arg7[%broadcast_in_dim3A_255, %iota3A], %gather3A_298 masked %ne3A_346 : memref<3200x16xf32, #tpu.memory_space<vmem>>[vector<16xi32>, vector<16xi32>], vector<16xf32>, vector<16xi1>
      tpu.vector_store_idx %arg7[%broadcast_in_dim3A_258, %iota3A], %gather3A_302 masked %ne3A_350 : memref<3200x16xf32, #tpu.memory_space<vmem>>[vector<16xi32>, vector<16xi32>], vector<16xf32>, vector<16xi1>
      tpu.vector_store_idx %arg7[%broadcast_in_dim3A_261, %iota3A], %gather3A_306 masked %ne3A_354 : memref<3200x16xf32, #tpu.memory_space<vmem>>[vector<16xi32>, vector<16xi32>], vector<16xf32>, vector<16xi1>
      tpu.vector_store_idx %arg7[%broadcast_in_dim3A_264, %iota3A], %gather3A_310 masked %ne3A_358 : memref<3200x16xf32, #tpu.memory_space<vmem>>[vector<16xi32>, vector<16xi32>], vector<16xf32>, vector<16xi1>
      tpu.vector_store_idx %arg7[%broadcast_in_dim3A_267, %iota3A], %gather3A_314 masked %ne3A_362 : memref<3200x16xf32, #tpu.memory_space<vmem>>[vector<16xi32>, vector<16xi32>], vector<16xf32>, vector<16xi1>
      tpu.vector_store_idx %arg7[%broadcast_in_dim3A_270, %iota3A], %gather3A_318 masked %ne3A_366 : memref<3200x16xf32, #tpu.memory_space<vmem>>[vector<16xi32>, vector<16xi32>], vector<16xf32>, vector<16xi1>
      %scan3A_367 = arith.constant 0 : i32
      scf.yield %scan3A_367 : i32
    }
    %scan3A_128 = arith.constant 260 : i32
    %get3A_129 = arith.constant 3120 : index
    %get3A_130 = tpu.vector_load %arg5[%get3A_129] {strides = array<i32>} : memref<3200xi32, #tpu.memory_space<vmem>>, vector<16xi32>,
    %slice3A_131 = vector.extract_strided_slice %get3A_130 {offsets = [0], sizes = [1], strides = [1]} : vector<16xi32> to vector<1xi32>
    %squeeze3A_132 = vector.extract %slice3A_131[0] : i32 from vector<1xi32>
    %broadcast_in_dim3A_133 = vector.broadcast %squeeze3A_132 : i32 to vector<16xi32>
    %slice3A_134 = vector.extract_strided_slice %get3A_130 {offsets = [1], sizes = [1], strides = [1]} : vector<16xi32> to vector<1xi32>
    %squeeze3A_135 = vector.extract %slice3A_134[0] : i32 from vector<1xi32>
    %broadcast_in_dim3A_136 = vector.broadcast %squeeze3A_135 : i32 to vector<16xi32>
    %slice3A_137 = vector.extract_strided_slice %get3A_130 {offsets = [2], sizes = [1], strides = [1]} : vector<16xi32> to vector<1xi32>
    %squeeze3A_138 = vector.extract %slice3A_137[0] : i32 from vector<1xi32>
    %broadcast_in_dim3A_139 = vector.broadcast %squeeze3A_138 : i32 to vector<16xi32>
    %slice3A_140 = vector.extract_strided_slice %get3A_130 {offsets = [3], sizes = [1], strides = [1]} : vector<16xi32> to vector<1xi32>
    %squeeze3A_141 = vector.extract %slice3A_140[0] : i32 from vector<1xi32>
    %broadcast_in_dim3A_142 = vector.broadcast %squeeze3A_141 : i32 to vector<16xi32>
    %slice3A_143 = vector.extract_strided_slice %get3A_130 {offsets = [4], sizes = [1], strides = [1]} : vector<16xi32> to vector<1xi32>
    %squeeze3A_144 = vector.extract %slice3A_143[0] : i32 from vector<1xi32>
    %broadcast_in_dim3A_145 = vector.broadcast %squeeze3A_144 : i32 to vector<16xi32>
    %slice3A_146 = vector.extract_strided_slice %get3A_130 {offsets = [5], sizes = [1], strides = [1]} : vector<16xi32> to vector<1xi32>
    %squeeze3A_147 = vector.extract %slice3A_146[0] : i32 from vector<1xi32>
    %broadcast_in_dim3A_148 = vector.broadcast %squeeze3A_147 : i32 to vector<16xi32>
    %slice3A_149 = vector.extract_strided_slice %get3A_130 {offsets = [6], sizes = [1], strides = [1]} : vector<16xi32> to vector<1xi32>
    %squeeze3A_150 = vector.extract %slice3A_149[0] : i32 from vector<1xi32>
    %broadcast_in_dim3A_151 = vector.broadcast %squeeze3A_150 : i32 to vector<16xi32>
    %slice3A_152 = vector.extract_strided_slice %get3A_130 {offsets = [7], sizes = [1], strides = [1]} : vector<16xi32> to vector<1xi32>
    %squeeze3A_153 = vector.extract %slice3A_152[0] : i32 from vector<1xi32>
    %broadcast_in_dim3A_154 = vector.broadcast %squeeze3A_153 : i32 to vector<16xi32>
    %slice3A_155 = vector.extract_strided_slice %get3A_130 {offsets = [8], sizes = [1], strides = [1]} : vector<16xi32> to vector<1xi32>
    %squeeze3A_156 = vector.extract %slice3A_155[0] : i32 from vector<1xi32>
    %broadcast_in_dim3A_157 = vector.broadcast %squeeze3A_156 : i32 to vector<16xi32>
    %broadcast_in_dim3A_158 = arith.constant 3120 : i32
    %broadcast_in_dim3A_159 = vector.broadcast %broadcast_in_dim3A_158 : i32 to vector<16xi32>
    %gather3A_160 = tpu.vector_load_idx %arg6[%broadcast_in_dim3A_159, %iota3A] : memref<3200x16xf32, #tpu.memory_space<vmem>>[vector<16xi32>, vector<16xi32>], vector<16xf32>,
    %broadcast_in_dim3A_161 = arith.constant 3121 : i32
    %broadcast_in_dim3A_162 = vector.broadcast %broadcast_in_dim3A_161 : i32 to vector<16xi32>
    %gather3A_163 = tpu.vector_load_idx %arg6[%broadcast_in_dim3A_162, %iota3A] : memref<3200x16xf32, #tpu.memory_space<vmem>>[vector<16xi32>, vector<16xi32>], vector<16xf32>,
    %broadcast_in_dim3A_164 = arith.constant 3122 : i32
    %broadcast_in_dim3A_165 = vector.broadcast %broadcast_in_dim3A_164 : i32 to vector<16xi32>
    %gather3A_166 = tpu.vector_load_idx %arg6[%broadcast_in_dim3A_165, %iota3A] : memref<3200x16xf32, #tpu.memory_space<vmem>>[vector<16xi32>, vector<16xi32>], vector<16xf32>,
    %broadcast_in_dim3A_167 = arith.constant 3123 : i32
    %broadcast_in_dim3A_168 = vector.broadcast %broadcast_in_dim3A_167 : i32 to vector<16xi32>
    %gather3A_169 = tpu.vector_load_idx %arg6[%broadcast_in_dim3A_168, %iota3A] : memref<3200x16xf32, #tpu.memory_space<vmem>>[vector<16xi32>, vector<16xi32>], vector<16xf32>,
    %broadcast_in_dim3A_170 = arith.constant 3124 : i32
    %broadcast_in_dim3A_171 = vector.broadcast %broadcast_in_dim3A_170 : i32 to vector<16xi32>
    %gather3A_172 = tpu.vector_load_idx %arg6[%broadcast_in_dim3A_171, %iota3A] : memref<3200x16xf32, #tpu.memory_space<vmem>>[vector<16xi32>, vector<16xi32>], vector<16xf32>,
    %broadcast_in_dim3A_173 = arith.constant 3125 : i32
    %broadcast_in_dim3A_174 = vector.broadcast %broadcast_in_dim3A_173 : i32 to vector<16xi32>
    %gather3A_175 = tpu.vector_load_idx %arg6[%broadcast_in_dim3A_174, %iota3A] : memref<3200x16xf32, #tpu.memory_space<vmem>>[vector<16xi32>, vector<16xi32>], vector<16xf32>,
    %broadcast_in_dim3A_176 = arith.constant 3126 : i32
    %broadcast_in_dim3A_177 = vector.broadcast %broadcast_in_dim3A_176 : i32 to vector<16xi32>
    %gather3A_178 = tpu.vector_load_idx %arg6[%broadcast_in_dim3A_177, %iota3A] : memref<3200x16xf32, #tpu.memory_space<vmem>>[vector<16xi32>, vector<16xi32>], vector<16xf32>,
    %broadcast_in_dim3A_179 = arith.constant 3127 : i32
    %broadcast_in_dim3A_180 = vector.broadcast %broadcast_in_dim3A_179 : i32 to vector<16xi32>
    %gather3A_181 = tpu.vector_load_idx %arg6[%broadcast_in_dim3A_180, %iota3A] : memref<3200x16xf32, #tpu.memory_space<vmem>>[vector<16xi32>, vector<16xi32>], vector<16xf32>,
    %broadcast_in_dim3A_182 = arith.constant 3128 : i32
    %broadcast_in_dim3A_183 = vector.broadcast %broadcast_in_dim3A_182 : i32 to vector<16xi32>
    %gather3A_184 = tpu.vector_load_idx %arg6[%broadcast_in_dim3A_183, %iota3A] : memref<3200x16xf32, #tpu.memory_space<vmem>>[vector<16xi32>, vector<16xi32>], vector<16xf32>,
    %bitcast3A_185 = vector.bitcast %gather3A_160 : vector<16xf32> to vector<16xi32>
    %ne3A_186 = arith.constant 0 : i32
    %ne3A_187 = vector.broadcast %ne3A_186 : i32 to vector<16xi32>
    %ne3A_188 = arith.cmpi ne, %bitcast3A_185, %ne3A_187 : vector<16xi32>
    %bitcast3A_189 = vector.bitcast %gather3A_163 : vector<16xf32> to vector<16xi32>
    %ne3A_190 = arith.constant 0 : i32
    %ne3A_191 = vector.broadcast %ne3A_190 : i32 to vector<16xi32>
    %ne3A_192 = arith.cmpi ne, %bitcast3A_189, %ne3A_191 : vector<16xi32>
    %bitcast3A_193 = vector.bitcast %gather3A_166 : vector<16xf32> to vector<16xi32>
    %ne3A_194 = arith.constant 0 : i32
    %ne3A_195 = vector.broadcast %ne3A_194 : i32 to vector<16xi32>
    %ne3A_196 = arith.cmpi ne, %bitcast3A_193, %ne3A_195 : vector<16xi32>
    %bitcast3A_197 = vector.bitcast %gather3A_169 : vector<16xf32> to vector<16xi32>
    %ne3A_198 = arith.constant 0 : i32
    %ne3A_199 = vector.broadcast %ne3A_198 : i32 to vector<16xi32>
    %ne3A_200 = arith.cmpi ne, %bitcast3A_197, %ne3A_199 : vector<16xi32>
    %bitcast3A_201 = vector.bitcast %gather3A_172 : vector<16xf32> to vector<16xi32>
    %ne3A_202 = arith.constant 0 : i32
    %ne3A_203 = vector.broadcast %ne3A_202 : i32 to vector<16xi32>
    %ne3A_204 = arith.cmpi ne, %bitcast3A_201, %ne3A_203 : vector<16xi32>
    %bitcast3A_205 = vector.bitcast %gather3A_175 : vector<16xf32> to vector<16xi32>
    %ne3A_206 = arith.constant 0 : i32
    %ne3A_207 = vector.broadcast %ne3A_206 : i32 to vector<16xi32>
    %ne3A_208 = arith.cmpi ne, %bitcast3A_205, %ne3A_207 : vector<16xi32>
    %bitcast3A_209 = vector.bitcast %gather3A_178 : vector<16xf32> to vector<16xi32>
    %ne3A_210 = arith.constant 0 : i32
    %ne3A_211 = vector.broadcast %ne3A_210 : i32 to vector<16xi32>
    %ne3A_212 = arith.cmpi ne, %bitcast3A_209, %ne3A_211 : vector<16xi32>
    %bitcast3A_213 = vector.bitcast %gather3A_181 : vector<16xf32> to vector<16xi32>
    %ne3A_214 = arith.constant 0 : i32
    %ne3A_215 = vector.broadcast %ne3A_214 : i32 to vector<16xi32>
    %ne3A_216 = arith.cmpi ne, %bitcast3A_213, %ne3A_215 : vector<16xi32>
    %bitcast3A_217 = vector.bitcast %gather3A_184 : vector<16xf32> to vector<16xi32>
    %ne3A_218 = arith.constant 0 : i32
    %ne3A_219 = vector.broadcast %ne3A_218 : i32 to vector<16xi32>
    %ne3A_220 = arith.cmpi ne, %bitcast3A_217, %ne3A_219 : vector<16xi32>
    tpu.vector_store_idx %arg7[%broadcast_in_dim3A_133, %iota3A], %gather3A_160 masked %ne3A_188 : memref<3200x16xf32, #tpu.memory_space<vmem>>[vector<16xi32>, vector<16xi32>], vector<16xf32>, vector<16xi1>
    tpu.vector_store_idx %arg7[%broadcast_in_dim3A_136, %iota3A], %gather3A_163 masked %ne3A_192 : memref<3200x16xf32, #tpu.memory_space<vmem>>[vector<16xi32>, vector<16xi32>], vector<16xf32>, vector<16xi1>
    tpu.vector_store_idx %arg7[%broadcast_in_dim3A_139, %iota3A], %gather3A_166 masked %ne3A_196 : memref<3200x16xf32, #tpu.memory_space<vmem>>[vector<16xi32>, vector<16xi32>], vector<16xf32>, vector<16xi1>
    tpu.vector_store_idx %arg7[%broadcast_in_dim3A_142, %iota3A], %gather3A_169 masked %ne3A_200 : memref<3200x16xf32, #tpu.memory_space<vmem>>[vector<16xi32>, vector<16xi32>], vector<16xf32>, vector<16xi1>
    tpu.vector_store_idx %arg7[%broadcast_in_dim3A_145, %iota3A], %gather3A_172 masked %ne3A_204 : memref<3200x16xf32, #tpu.memory_space<vmem>>[vector<16xi32>, vector<16xi32>], vector<16xf32>, vector<16xi1>
    tpu.vector_store_idx %arg7[%broadcast_in_dim3A_148, %iota3A], %gather3A_175 masked %ne3A_208 : memref<3200x16xf32, #tpu.memory_space<vmem>>[vector<16xi32>, vector<16xi32>], vector<16xf32>, vector<16xi1>
    tpu.vector_store_idx %arg7[%broadcast_in_dim3A_151, %iota3A], %gather3A_178 masked %ne3A_212 : memref<3200x16xf32, #tpu.memory_space<vmem>>[vector<16xi32>, vector<16xi32>], vector<16xf32>, vector<16xi1>
    tpu.vector_store_idx %arg7[%broadcast_in_dim3A_154, %iota3A], %gather3A_181 masked %ne3A_216 : memref<3200x16xf32, #tpu.memory_space<vmem>>[vector<16xi32>, vector<16xi32>], vector<16xf32>, vector<16xi1>
    tpu.vector_store_idx %arg7[%broadcast_in_dim3A_157, %iota3A], %gather3A_184 masked %ne3A_220 : memref<3200x16xf32, #tpu.memory_space<vmem>>[vector<16xi32>, vector<16xi32>], vector<16xf32>, vector<16xi1>
    %dma_start3A_221 = arith.constant 0 : i32
    %dma_start3A_222 = tpu.memref_slice %arg4[%dma_start3A_221, %add3A_111] : memref<3200x1024xf32, #tpu.memory_space<hbm>> -> memref<3200x16xf32, #tpu.memory_space<hbm>>
    %dma_start3A_223 = arith.constant 0 : i32
    %dma_start3A_224 = tpu.memref_slice %arg4[%dma_start3A_223, %add3A_111] : memref<3200x1024xf32, #tpu.memory_space<hbm>> -> memref<3200x16xf32, #tpu.memory_space<hbm>>
    tpu.enqueue_dma source(%arg7 : memref<3200x16xf32, #tpu.memory_space<vmem>>) target(%dma_start3A_224 : memref<3200x16xf32, #tpu.memory_space<hbm>>) target_semaphore(%arg8 : memref<!tpu.dma_semaphore, #tpu.memory_space<semaphore_mem>>)
    %dma_wait3A_225 = arith.constant 0 : i32
    %dma_wait3A_226 = tpu.memref_slice %arg4[%dma_wait3A_225, %add3A_111] : memref<3200x1024xf32, #tpu.memory_space<hbm>> -> memref<3200x16xf32, #tpu.memory_space<hbm>>
    %dma_wait3A_227 = arith.constant 0 : i32
    %dma_wait3A_228 = tpu.memref_slice %arg4[%dma_wait3A_227, %add3A_111] : memref<3200x1024xf32, #tpu.memory_space<hbm>> -> memref<3200x16xf32, #tpu.memory_space<hbm>>
    tpu.wait_dma2 semaphore(%arg8 : memref<!tpu.dma_semaphore, #tpu.memory_space<semaphore_mem>>) src(%arg7 : memref<3200x16xf32, #tpu.memory_space<vmem>>) dst(%dma_wait3A_228 : memref<3200x16xf32, #tpu.memory_space<hbm>>)
    return
  }
}

module attributes {stable_mosaic.version = 14 : i64} {
  func.func @_a2_body(%arg0: i32, %arg1: memref<128x768xbf16, #tpu.memory_space<vmem>>, %arg2: memref<3200x768xbf16, #tpu.memory_space<vmem>>, %arg3: memref<1x1x128xi32, #tpu.memory_space<vmem>>, %arg4: memref<1x3200xf32, #tpu.memory_space<vmem>>) attributes {dimension_semantics = [#tpu.dimension_semantics<arbitrary>], iteration_bounds = array<i64: 25>, scalar_prefetch = 0 : i64, scratch_operands = 1 : i64, tpu.core_type = #tpu.core_type<tc>, window_params = [{transform_indices = @transform_0, window_bounds = array<i64: 128, 768>}, {pipeline_mode = #tpu.pipeline_mode<synchronous>, transform_indices = @transform_1, window_bounds = array<i64: 3200, 768>}, {transform_indices = @transform_2, window_bounds = array<i64: 1, 1, 128>}]} {
    %eq3A = arith.constant 0 : i32
    %eq3A_0 = arith.cmpi eq, %arg0, %eq3A : i32
    %convert_element_type3A = arith.extui %eq3A_0 : i1 to i32
    %cond3A = arith.constant 0 : i32
    %cond3A_1 = arith.cmpi ne, %convert_element_type3A, %cond3A : i32
    scf.if %cond3A_1 {
      %get3A_44 = arith.constant 0 : index
      %get3A_45 = arith.constant 0 : index
      %get3A_46 = vector.load %arg2[%get3A_44, %get3A_45] : memref<3200x768xbf16, #tpu.memory_space<vmem>>, vector<3200x768xbf16>
      %dot_general3A_47 = arith.constant dense<0.000000e+00> : vector<768x768xf32>
      %dot_general3A_48 = tpu.matmul %get3A_46, %get3A_46, %dot_general3A_47 {dimension_numbers = #tpu.dot_dimension_numbers<[0], [0], [1], [1], [0, 1, 1, 1], [], []>, transpose_lhs_hint = false} : vector<3200x768xbf16>, vector<3200x768xbf16>, vector<768x768xf32> -> vector<768x768xf32>
      %convert_element_type3A_49 = arith.truncf %dot_general3A_48 : vector<768x768xf32> to vector<768x768xbf16>
      %dot_general3A_50 = arith.constant dense<0.000000e+00> : vector<3200x768xf32>
      %dot_general3A_51 = tpu.matmul %get3A_46, %convert_element_type3A_49, %dot_general3A_50 {dimension_numbers = #tpu.dot_dimension_numbers<[1], [0], [0], [1], [0, 0, 1, 1], [], []>, transpose_lhs_hint = false} : vector<3200x768xbf16>, vector<768x768xbf16>, vector<3200x768xf32> -> vector<3200x768xf32>
      %convert_element_type3A_52 = arith.extf %get3A_46 : vector<3200x768xbf16> to vector<3200x768xf32>
      %mul3A_53 = arith.mulf %convert_element_type3A_52, %dot_general3A_51 : vector<3200x768xf32>
      %reduce_sum3A = arith.constant dense<0.000000e+00> : vector<3200xf32>
      %reduce_sum3A_54 = vector.multi_reduction <add>, %mul3A_53, %reduce_sum3A [1] : vector<3200x768xf32> to vector<3200xf32>
      %sqrt3A = math.sqrt %reduce_sum3A_54 : vector<3200xf32>
      %div3A = arith.constant 1.000000e+00 : f32
      %div3A_55 = vector.broadcast %div3A : f32 to vector<3200xf32>
      %div3A_56 = arith.divf %div3A_55, %sqrt3A : vector<3200xf32>
      %reshape3A_57 = vector.shape_cast %div3A_56 : vector<3200xf32> to vector<1x3200xf32>
      %swap3A_58 = arith.constant 0 : index
      %swap3A_59 = arith.constant 0 : index
      %swap3A_60 = vector.load %arg4[%swap3A_58, %swap3A_59] : memref<1x3200xf32, #tpu.memory_space<vmem>>, vector<1x3200xf32>
      tpu.vector_store %arg4[%swap3A_58, %swap3A_59], %reshape3A_57 {strides = array<i32>} : memref<1x3200xf32, #tpu.memory_space<vmem>>, vector<1x3200xf32>,
    } else {
    }
    %get3A = arith.constant 0 : index
    %get3A_2 = arith.constant 0 : index
    %get3A_3 = vector.load %arg1[%get3A, %get3A_2] : memref<128x768xbf16, #tpu.memory_space<vmem>>, vector<128x768xbf16>
    %get3A_4 = arith.constant 0 : index
    %get3A_5 = arith.constant 0 : index
    %get3A_6 = vector.load %arg2[%get3A_4, %get3A_5] : memref<3200x768xbf16, #tpu.memory_space<vmem>>, vector<3200x768xbf16>
    %dot_general3A = arith.constant dense<0.000000e+00> : vector<128x3200xf32>
    %dot_general3A_7 = tpu.matmul %get3A_3, %get3A_6, %dot_general3A {dimension_numbers = #tpu.dot_dimension_numbers<[1], [1], [0], [0], [0, 0, 1, 0], [], []>, transpose_lhs_hint = false} : vector<128x768xbf16>, vector<3200x768xbf16>, vector<128x3200xf32> -> vector<128x3200xf32>
    %get3A_8 = arith.constant 0 : index
    %get3A_9 = arith.constant 0 : index
    %get3A_10 = vector.load %arg4[%get3A_8, %get3A_9] : memref<1x3200xf32, #tpu.memory_space<vmem>>, vector<1x3200xf32>
    %reshape3A = vector.shape_cast %get3A_10 : vector<1x3200xf32> to vector<3200xf32>
    %mul3A = arith.constant 128 : i32
    %mul3A_11 = arith.muli %arg0, %mul3A : i32
    %get3A_12 = arith.constant 0 : index
    %get3A_13 = arith.index_cast %mul3A_11 : i32 to index
    %get3A_14 = vector.load %arg4[%get3A_12, %get3A_13] : memref<1x3200xf32, #tpu.memory_space<vmem>>, vector<1x128xf32>
    %get3A_15 = vector.shape_cast %get3A_14 : vector<1x128xf32> to vector<128xf32>
    %broadcast_in_dim3A = vector.shape_cast %get3A_15 : vector<128xf32> to vector<128x1xf32>
    %broadcast_in_dim3A_16 = vector.shape_cast %reshape3A : vector<3200xf32> to vector<1x3200xf32>
    %mul3A_17 = vector.broadcast %broadcast_in_dim3A : vector<128x1xf32> to vector<128x3200xf32>
    %mul3A_18 = vector.broadcast %broadcast_in_dim3A_16 : vector<1x3200xf32> to vector<128x3200xf32>
    %mul3A_19 = arith.mulf %mul3A_17, %mul3A_18 : vector<128x3200xf32>
    %mul3A_20 = arith.mulf %dot_general3A_7, %mul3A_19 : vector<128x3200xf32>
    %iota3A = tpu.iota {dimensions = array<i32: 1>} : vector<128x3200xi32>
    %mul3A_21 = arith.constant 128 : i32
    %mul3A_22 = arith.muli %arg0, %mul3A_21 : i32
    %iota3A_23 = tpu.iota {dimensions = array<i32: 0>} : vector<128x3200xi32>
    %add3A = vector.broadcast %mul3A_22 : i32 to vector<128x3200xi32>
    %add3A_24 = arith.addi %add3A, %iota3A_23 : vector<128x3200xi32>
    %eq3A_25 = arith.cmpi eq, %iota3A, %add3A_24 : vector<128x3200xi32>
    %jit3A = arith.constant -2.000000e+00 : f32
    %broadcast_in_dim3A_26 = vector.broadcast %jit3A : f32 to vector<128x3200xf32>
    %select_n3A = arith.select %eq3A_25, %broadcast_in_dim3A_26, %mul3A_20 : vector<128x3200xi1>, vector<128x3200xf32>
    %ge3A = arith.constant 3129 : i32
    %ge3A_27 = vector.broadcast %ge3A : i32 to vector<128x3200xi32>
    %ge3A_28 = arith.cmpi sge, %iota3A, %ge3A_27 : vector<128x3200xi32>
    %jit3A_29 = arith.constant -3.000000e+38 : f32
    %broadcast_in_dim3A_30 = vector.broadcast %jit3A_29 : f32 to vector<128x3200xf32>
    %select_n3A_31 = arith.select %ge3A_28, %broadcast_in_dim3A_30, %select_n3A : vector<128x3200xi1>, vector<128x3200xf32>
    %reduce_max3A = arith.constant dense<0xFF800000> : vector<128xf32>
    %reduce_max3A_32 = vector.multi_reduction <maximumf>, %select_n3A_31, %reduce_max3A [1] : vector<128x3200xf32> to vector<128xf32>
    %broadcast_in_dim3A_33 = vector.shape_cast %reduce_max3A_32 : vector<128xf32> to vector<128x1xf32>
    %eq3A_34 = vector.broadcast %broadcast_in_dim3A_33 : vector<128x1xf32> to vector<128x3200xf32>
    %eq3A_35 = arith.cmpf oeq, %select_n3A_31, %eq3A_34 : vector<128x3200xf32>
    %jit3A_36 = arith.constant 3200 : i32
    %broadcast_in_dim3A_37 = vector.broadcast %jit3A_36 : i32 to vector<128x3200xi32>
    %select_n3A_38 = arith.select %eq3A_35, %iota3A, %broadcast_in_dim3A_37 : vector<128x3200xi1>, vector<128x3200xi32>
    %reduce_min3A = arith.constant dense<2147483647> : vector<128xi32>
    %reduce_min3A_39 = vector.multi_reduction <minsi>, %select_n3A_38, %reduce_min3A [1] : vector<128x3200xi32> to vector<128xi32>
    %reshape3A_40 = vector.shape_cast %reduce_min3A_39 : vector<128xi32> to vector<1x1x128xi32>
    %swap3A = arith.constant 0 : index
    %swap3A_41 = arith.constant 0 : index
    %swap3A_42 = arith.constant 0 : index
    %swap3A_43 = vector.load %arg3[%swap3A, %swap3A_41, %swap3A_42] : memref<1x1x128xi32, #tpu.memory_space<vmem>>, vector<1x1x128xi32>
    tpu.vector_store %arg3[%swap3A, %swap3A_41, %swap3A_42], %reshape3A_40 {strides = array<i32>} : memref<1x1x128xi32, #tpu.memory_space<vmem>>, vector<1x1x128xi32>,
    return
  }
  func.func @transform_0(%arg0: i32) -> (i32, i32) {
    %c0_i32 = arith.constant 0 : i32
    %c0_i32_0 = arith.constant 0 : i32
    return %arg0, %c0_i32 : i32, i32
  }
  func.func @transform_1(%arg0: i32) -> (i32, i32) {
    %c0_i32 = arith.constant 0 : i32
    %c0_i32_0 = arith.constant 0 : i32
    %c0_i32_1 = arith.constant 0 : i32
    return %c0_i32, %c0_i32_0 : i32, i32
  }
  func.func @transform_2(%arg0: i32) -> (i32, i32, i32) {
    %c0_i32 = arith.constant 0 : i32
    %c0_i32_0 = arith.constant 0 : i32
    %c0_i32_1 = arith.constant 0 : i32
    return %arg0, %c0_i32, %c0_i32_0 : i32, i32, i32
  }
}

module attributes {stable_mosaic.version = 14 : i64} {
  func.func @_c_body(%arg0: i32, %arg1: memref<128x3129xf32, #tpu.memory_space<vmem>>, %arg2: memref<3200x128xf32, #tpu.memory_space<vmem>>, %arg3: memref<1x1x1xf32, #tpu.memory_space<vmem>>) attributes {dimension_semantics = [#tpu.dimension_semantics<arbitrary>], iteration_bounds = array<i64: 8>, scalar_prefetch = 0 : i64, scratch_operands = 0 : i64, tpu.core_type = #tpu.core_type<tc>, window_params = [{transform_indices = @transform_0, window_bounds = array<i64: 128, 3129>}, {transform_indices = @transform_1, window_bounds = array<i64: 3200, 128>}, {transform_indices = @transform_2, window_bounds = array<i64: 1, 1, 1>}]} {
    %get3A = arith.constant 0 : index
    %get3A_0 = arith.constant 0 : index
    %get3A_1 = vector.load %arg1[%get3A, %get3A_0] : memref<128x3129xf32, #tpu.memory_space<vmem>>, vector<128x3129xf32>
    %max3A = arith.constant 0.000000e+00 : f32
    %max3A_2 = vector.broadcast %max3A : f32 to vector<128x3129xf32>
    %max3A_3 = arith.maximumf %get3A_1, %max3A_2 : vector<128x3129xf32>
    %abs3A = math.absf %get3A_1 : vector<128x3129xf32>
    %neg3A = arith.constant 0.000000e+00 : f32
    %neg3A_4 = vector.broadcast %neg3A : f32 to vector<128x3129xf32>
    %neg3A_5 = arith.subf %neg3A_4, %abs3A : vector<128x3129xf32>
    %exp3A = math.exp %neg3A_5 : vector<128x3129xf32>
    %add3A = arith.constant 1.000000e+00 : f32
    %add3A_6 = vector.broadcast %add3A : f32 to vector<128x3129xf32>
    %add3A_7 = arith.addf %add3A_6, %exp3A : vector<128x3129xf32>
    %log3A = math.log %add3A_7 : vector<128x3129xf32>
    %add3A_8 = arith.addf %max3A_3, %log3A : vector<128x3129xf32>
    %get3A_9 = arith.constant 0 : index
    %get3A_10 = arith.constant 0 : index
    %get3A_11 = vector.load %arg2[%get3A_9, %get3A_10] : memref<3200x128xf32, #tpu.memory_space<vmem>>, vector<3200x128xf32>
    %transpose3A = tpu.transpose %get3A_11, [1, 0] : vector<3200x128xf32> -> vector<128x3200xf32>
    %slice3A = vector.extract_strided_slice %transpose3A {offsets = [0, 0], sizes = [128, 3129], strides = [1, 1]} : vector<128x3200xf32> to vector<128x3129xf32>
    %reduce_sum3A = vector.shape_cast %add3A_8 : vector<128x3129xf32> to vector<1x128x3129xf32>
    %reduce_sum3A_12 = arith.constant dense<0.000000e+00> : vector<1xf32>
    %reduce_sum3A_13 = vector.multi_reduction <add>, %reduce_sum3A, %reduce_sum3A_12 [1, 2] : vector<1x128x3129xf32> to vector<1xf32>
    %reduce_sum3A_14 = vector.shape_cast %reduce_sum3A_13 : vector<1xf32> to vector<1x1x1xf32>
    %reduce_sum3A_15 = vector.extract %reduce_sum3A_14[0, 0, 0] : f32 from vector<1x1x1xf32>
    %mul3A = arith.mulf %get3A_1, %slice3A : vector<128x3129xf32>
    %reduce_sum3A_16 = vector.shape_cast %mul3A : vector<128x3129xf32> to vector<1x128x3129xf32>
    %reduce_sum3A_17 = arith.constant dense<0.000000e+00> : vector<1xf32>
    %reduce_sum3A_18 = vector.multi_reduction <add>, %reduce_sum3A_16, %reduce_sum3A_17 [1, 2] : vector<1x128x3129xf32> to vector<1xf32>
    %reduce_sum3A_19 = vector.shape_cast %reduce_sum3A_18 : vector<1xf32> to vector<1x1x1xf32>
    %reduce_sum3A_20 = vector.extract %reduce_sum3A_19[0, 0, 0] : f32 from vector<1x1x1xf32>
    %sub3A = arith.subf %reduce_sum3A_15, %reduce_sum3A_20 : f32
    %reshape3A = vector.broadcast %sub3A : f32 to vector<1x1x1xf32>
    %swap3A = arith.constant 0 : index
    %swap3A_21 = arith.constant 0 : index
    %swap3A_22 = arith.constant 0 : index
    %swap3A_23 = vector.load %arg3[%swap3A, %swap3A_21, %swap3A_22] : memref<1x1x1xf32, #tpu.memory_space<vmem>>, vector<1x1x1xf32>
    tpu.vector_store %arg3[%swap3A, %swap3A_21, %swap3A_22], %reshape3A {strides = array<i32>} : memref<1x1x1xf32, #tpu.memory_space<vmem>>, vector<1x1x1xf32>,
    return
  }
  func.func @transform_0(%arg0: i32) -> (i32, i32) {
    %c0_i32 = arith.constant 0 : i32
    %c0_i32_0 = arith.constant 0 : i32
    return %arg0, %c0_i32 : i32, i32
  }
  func.func @transform_1(%arg0: i32) -> (i32, i32) {
    %c0_i32 = arith.constant 0 : i32
    %c0_i32_0 = arith.constant 0 : i32
    return %c0_i32, %arg0 : i32, i32
  }
  func.func @transform_2(%arg0: i32) -> (i32, i32, i32) {
    %c0_i32 = arith.constant 0 : i32
    %c0_i32_0 = arith.constant 0 : i32
    %c0_i32_1 = arith.constant 0 : i32
    return %arg0, %c0_i32, %c0_i32_0 : i32, i32, i32
  }
}

</mosaic_0001>

<sc_bundles>
// kernel: kernel.5.cloned.1.call-start
scs
__scs_entry_jumppad:
0x0: {  	(pc) =	sbr.rel $0x88, $3  }
0x1: {  	(tag) =	ssettag $0x0;
	lr =	simm.s32 $0x1  }
0x2: {  	[smem:$0x3F9E] =	sst lr;
	_ =	strace $0xD0000000  }
0x3: {  	_ = 	snop  }
0x4: {  	_ = 	snop  }
0x5: {  	_ = 	snop  }
0x6: {  	_ = 	snop  }
0x7: {  	_ = 	snop  }
__scs_overlays_trampoline_lowered:
0x8: {  	[smem:$0x3FAD] =	sst s0  }
0x9: {  	[smem:$0x3FAE] =	sst s1  }
0xa: {  	[smem:$0x3FAF] =	sst s2  }
0xb: {  	[smem:$0x3FB0] =	sst s3  }
0xc: {  	[smem:$0x3FB1] =	sst s4  }
0xd: {  	[smem:$0x3FB2] =	sst s5  }
0xe: {  	[smem:$0x3FB3] =	sst s6  }
0xf: {  	[smem:$0x3FB4] =	sst s7  }
0x10: {  	[smem:$0x3FB5] =	sst s8  }
0x11: {  	[smem:$0x3FB6] =	sst s9;
	s0 =	simm.s32 @!p0 $0x0  }
0x12: {  	s1 =	sld [smem:$0x3F9C];
	s0 =	simm.s32 @p0 $0x1  }
0x13: {  	[smem:$0x3FB7] =	sst s0;
	s0 =	simm.s32 @!p1 $0x0  }
0x14: {  	s2 =	sld [smem:$0x3F9B];
	s0 =	simm.s32 @p1 $0x1  }
0x15: {  	[smem:$0x3FB8] =	sst s0;
	s0 =	simm.s32 @!p2 $0x0  }
0x16: {  	s3 =	sld [smem:$0x3FDB];
	s0 =	simm.s32 @p2 $0x1  }
0x17: {  	s4 =	simm.s32 $0x1BF5;
	[smem:$0x3FBA] =	sst s0  }
0x18: {  	s0 =	sld [smem:$0x3F9D];
	_ =	swait.ge [sflag:s4], $0x0  }
0x19: {  	s7 =	sld [smem:$0x3F9E]  }
0x1a: {  	s8 =	sadd.s32 $0xFFFFE003, lr  }
0x1b: {  	s9 =	sadd.s32 $0xFFFFFEF7, lr;
	s5 =	simm.s32 $0xFFFFFFFF;
	p2 =	slt.u32 s8, $0xFFFFF086  }
0x1c: {  	p1 =	slt.u32 s9, $0xF7A;
	s5 =	simm.s32 @!p2 $0x0  }
0x1d: {  	s5 =	simm.s32 @p1 $0x1;
	p0 =	seq.s32 s7, s2  }
0x1e: {  	s7 =	smul.u32 @!p0 $0xF7A, s2;
	p2 =	seq.s32 @!p0 s5, $0x0  }
0x1f: {  	s9 =	smul.u32 $0xF7A, s1;
	s8 =	simm.s32 @!p0 $0x1BF5;
	p2 =	por !p2, p0  }
0x20: {  	[sflag:s8] =	ssyncset.s32 @!p0 $0xFFFFF086;
	s6 =	sadd.s32 @!p0 s3, s7;
	s7 =	simm.s32 @!p0 $0x108  }
0x21: {  	s3 =	sadd.s32 s3, s9;
	s6 =	sadd.s32 @!p0 $0x88, s6;
	s7 =	simm.s32 @p2 $0x1082  }
0x22: {  	[simem:s7], [sflag:s8] =	dma.local @!p0 [hbm:s6], $0xF7A  }
0x23: {  	s9 =	sor.u32 $0xD0000000, s2;
	s6 =	simm.s32 $0x108;
	_ =	swait.ge @!p0 [sflag:s8], $0x0  }
0x24: {  	s3 =	sadd.s32 $0x88, s3;
	s6 =	simm.s32 @!p1 $0x1082;
	[sflag:s4] =	ssyncset.s32 $0xFFFFF086  }
0x25: {  	[simem:s6], [sflag:s4] =	dma.local [hbm:s3], $0xF7A  }
0x26: {  	[smem:$0x3F9E] =	sst s1;
	(tag) =	ssettag s2;
	_ =	strace s9  }
0x27: {  	s1 =	sld [smem:$0x3FAE]  }
0x28: {  	s2 =	sld [smem:$0x3FAF]  }
0x29: {  	s4 =	sld [smem:$0x3FB1]  }
0x2a: {  	p0 =	seq.s32 s5, $0x0;
	s5 =	sld [smem:$0x3FB2]  }
0x2b: {  	s6 =	sld [smem:$0x3FB3]  }
0x2c: {  	s7 =	sld [smem:$0x3FB4]  }
0x2d: {  	s3 =	simm.s32 $0x108;
	s8 =	sld [smem:$0x3FB5]  }
0x2e: {  	s3 =	simm.s32 @!p0 $0x1082;
	s9 =	sld [smem:$0x3FB6]  }
0x2f: {  	lr =	sadd.s32 s0, s3;
	s0 =	sld [smem:$0x3FAD]  }
0x30: {  	s3 =	sld [smem:$0x3FB0]  }
0x31: {  	[smem:$0x3FB9] =	sst s10  }
0x32: {  	s10 =	sld [smem:$0x3FB7];
	_ =	sdelay $0x3  }
0x33: {  	p0 =	seq.s32 s10, $0x1;
	s10 =	sld [smem:$0x3FB9];
	_ =	sdelay $0x3  }
0x34: {  	[smem:$0x3FB9] =	sst s10  }
0x35: {  	s10 =	sld [smem:$0x3FB8];
	_ =	sdelay $0x3  }
0x36: {  	p1 =	seq.s32 s10, $0x1;
	s10 =	sld [smem:$0x3FB9];
	_ =	sdelay $0x3  }
0x37: {  	[smem:$0x3FB9] =	sst s10  }
0x38: {  	s10 =	sld [smem:$0x3FBA]  }
0x39: {  	_ = 	snop;
	(pc) =	sbr.ind lr, $3  }
0x3a: {  	_ = 	snop  }
0x3b: {  	_ = 	snop  }
0x3c: {  	p2 =	seq.s32 s10, $0x1;
	s10 =	sld [smem:$0x3FB9]  }
0x3d: {  	_ =	shalt  }
0x3e: {  	_ =	shalt  }
0x3f: {  	_ =	shalt  }
0x40: {  	_ =	shalt  }
0x41: {  	_ =	shalt  }
0x42: {  	_ =	shalt  }
0x43: {  	_ =	shalt  }
0x44: {  	_ =	shalt  }
0x45: {  	_ =	shalt  }
0x46: {  	_ =	shalt  }
0x47: {  	_ =	shalt  }
0x48: {  	_ =	shalt  }
0x49: {  	_ =	shalt  }
0x4a: {  	_ =	shalt  }
0x4b: {  	_ =	shalt  }
0x4c: {  	_ =	shalt  }
0x4d: {  	_ =	shalt  }
0x4e: {  	_ =	shalt  }
0x4f: {  	_ =	shalt  }
0x50: {  	_ =	shalt  }
0x51: {  	_ =	shalt  }
0x52: {  	_ =	shalt  }
0x53: {  	_ =	shalt  }
0x54: {  	_ =	shalt  }
0x55: {  	_ =	shalt  }
0x56: {  	_ =	shalt  }
0x57: {  	_ =	shalt  }
0x58: {  	_ =	shalt  }
0x59: {  	_ =	shalt  }
0x5a: {  	_ =	shalt  }
0x5b: {  	_ =	shalt  }
0x5c: {  	_ =	shalt  }
0x5d: {  	_ =	shalt  }
0x5e: {  	_ =	shalt  }
0x5f: {  	_ =	shalt  }
0x60: {  	_ =	shalt  }
0x61: {  	_ =	shalt  }
0x62: {  	_ =	shalt  }
0x63: {  	_ =	shalt  }
0x64: {  	_ =	shalt  }
0x65: {  	_ =	shalt  }
0x66: {  	_ =	shalt  }
0x67: {  	_ =	shalt  }
0x68: {  	_ =	shalt  }
0x69: {  	_ =	shalt  }
0x6a: {  	_ =	shalt  }
0x6b: {  	_ =	shalt  }
0x6c: {  	_ =	shalt  }
0x6d: {  	_ =	shalt  }
0x6e: {  	_ =	shalt  }
0x6f: {  	_ =	shalt  }
0x70: {  	_ =	shalt  }
0x71: {  	_ =	shalt  }
0x72: {  	_ =	shalt  }
0x73: {  	_ =	shalt  }
0x74: {  	_ =	shalt  }
0x75: {  	_ =	shalt  }
0x76: {  	_ =	shalt  }
0x77: {  	_ =	shalt  }
0x78: {  	_ =	shalt  }
0x79: {  	_ =	shalt  }
0x7a: {  	_ =	shalt  }
0x7b: {  	_ =	shalt  }
0x7c: {  	_ =	shalt  }
0x7d: {  	_ =	shalt  }
0x7e: {  	_ =	shalt  }
0x7f: {  	_ =	shalt  }
0x80: {  	_ =	shalt  }
0x81: {  	_ =	shalt  }
0x82: {  	_ =	shalt  }
0x83: {  	_ =	shalt  }
0x84: {  	_ =	shalt  }
0x85: {  	_ =	shalt  }
0x86: {  	_ =	shalt  }
0x87: {  	_ =	shalt  }
.Lfunc_end0:
.L_simem_size_0:
called_computation_lowered:
.L_overlay_start_0:
0x88: {  	s2 =	sld [smem:$0x3FD9]  }
0x89: {  	s3 =	sld [smem:$0x3FFE];
	_ =	sdelay $0x1  }
0x8a: {  	s1 =	srdreg.scid  }
0x8b: {  	s0 =	sand.u32 $0x1, s1  }
0x8c: {  	s16 =	sshll.u32 s0, $0xA;
	s2 =	sadd.s32 s3, s2  }
0x8d: {  	s2 =	sadd.s32 s2, s16  }
0x8e: {  	[smem:$0x3FC5] =	sst s2  }
0x8f: {  	_ = 	snop  }
0x90: {  	(tm) =	ssettm $0x1  }
0x91: {  	s17 =	sld [smem:$0x3FFB];
	_ =	sdelay $0x3  }
0x92: {  	_ =	strace s17  }
0x93: {  	s2 =	sld [smem:$0x3FFC];
	_ =	sdelay $0x3  }
0x94: {  	_ =	strace s2  }
0x95: {  	s2 =	sld [smem:$0x3FFD];
	_ =	sdelay $0x3  }
0x96: {  	_ =	strace s2  }
0x97: {  	_ =	strace $0x8FFFFFFF  }
0x98: {  	s18 =	sld [smem:$0x3FDB];
	_ =	sdelay $0x1  }
0x99: {  	s19 =	simm.s32 $_scs_section_size  }
0x9a: {  	s4 =	simm.s32 $_size__tile_overlayer_lowered;
	s5 =	simm.s32 $_tile_overlayer_lowered  }
0x9b: {  	s22 =	simm.s32 $0x1BFF;
	s21 =	sshll.u32 s5, $0x1;
	s2 =	sadd.s32 s19, s18  }
0x9c: {  	s6 =	simm.s32 $0x0;
	s20 =	sshll.u32 s4, $0x1;
	s4 =	sadd.s32 s21, s2  }
0x9d: {  	[timem:s6], [sflag:s22] =	dma.local [hbm:s4], s20  }
0x9e: {  	_ =	swait.ge [sflag:s22], s20  }
0x9f: {  	s3 =	ssub.s32 $0x0, s20;
	[sflag:s22] =	ssyncset.done $0x0  }
0xa0: {  	[sflag:s22] =	ssyncadd.s32 s3;
	_ =	sdelay $0x1  }
0xa1: {  	s23 =	simm.s32 $0x1B8B  }
0xa2: {  	_ =	swait.ge [sflag:s23], $0x1  }
0xa3: {  	[sflag:s23] =	ssyncset.done $0x0  }
0xa4: {  	s25 =	simm.s32 $0x1B8E;
	s24 =	sld [smem:$0x3FFE];
	[sflag:s23] =	ssyncadd.s32 $0xFFFFFFFF  }
0xa5: {  	s26 =	simm.s32 $execute0_lowered;
	[smem:$0x3FD2] =	sst s25  }
0xa6: {  	s4 =	sshll.u32 s26, $0x1;
	_ =	strace $0x80000046;
	[dreg:$0x1] =	wrdreg $0xFFFFFFFF  }
0xa7: {  	s28 =	simm.s32 $_size_execute0_lowered;
	s2 =	sadd.s32 s2, s4;
	[dreg:$0x0] =	wrdreg $0x0  }
0xa8: {  	s4 =	sshll.u32 s28, $0x1;
	[dreg:$0x2] =	wrdreg s2  }
0xa9: {  	[dreg:$0x3] =	wrdreg s4  }
0xaa: {  	[dreg:$0x4] =	wrdreg $0xC0  }
0xab: {  	_ =	task [dreg:s6], $0x5FFFF  }
0xac: {  	[dreg:$0x1] =	wrdreg $0xFFFFFFFF  }
0xad: {  	[dreg:$0x0] =	wrdreg $0x60  }
0xae: {  	[dreg:$0x2] =	wrdreg s24  }
0xaf: {  	[dreg:$0x3] =	wrdreg $0x9  }
0xb0: {  	_ =	task.clear_ibuf [dreg:s6], $0x4FFFF;
	_ =	strace $0x90000046  }
0xb1: {  	s29 =	simm.s32 $0x9;
	_ =	strace $0x80000048  }
0xb2: {  	_ =	swait.ge [sflag:s29], $0x1  }
0xb3: {  	[sflag:s29] =	ssyncadd.s32 $0xFFFFFFFF  }
0xb4: {  	_ =	strace $0x90000048  }
0xb5: {  	_ =	sfence  }
0xb6: {  	s30 =	sld [smem:$0x0];
	_ =	sdelay $0x2  }
0xb7: {  	s31 =	sshll.u32 s1, $0xD;
	s1 =	sshrl.u32 s1, $0x2  }
0xb8: {  	s3 =	sand.u32 $0x4000, s31;
	s1 =	sadd.s32 s1, s30  }
0xb9: {  	s0 =	sor.u32 s3, s0;
	s1 =	sshll.u32 s1, $0x11  }
0xba: {  	s0 =	sor.u32 s1, s0  }
0xbb: {  	s0 =	sadd.s32 $0x8F2B, s0  }
0xbc: {  	[sflag:s0] =	ssyncadd.remote.s32 $0x1  }
0xbd: {  	_ =	sfence.sel $0xFFFF  }
0xbe: {  	[dreg:$0x0] =	wrdreg $0xFFFFFFFF;
	(pc) =	sbr.abs _section_cstart, $3  }
0xbf: {  	[dreg:$0x1] =	wrdreg $0xFFFFFFFF  }
0xc0: {  	_ =	task.clear_ibuf [dreg:s6], $0x2FFFF;
	_ =	strace $0x9FFFFFFF  }
0xc1: {  	(tm) =	ssettm $0x7FFFFFFF  }
tec
execute0_lowered:
.L_overlay_start_1:
0x0: {  	(tag) =	ssettag $0x1  }
0x1: {  	s4 =	rddreg [dreg:$0x0]  }
0x2: {  	s0 =	rddreg [dreg:$0x1];
	s1 =	simm.s32 $0x0  }
0x3: {  	s3 =	srdreg.scid;
	s2 =	stileid.u32;
	s11 =	simm.s32 $0x400  }
0x4: {  	s12 =	simm.s32 $0xC80;
	s13 =	simm.s32 $0xD480;
	s14 =	simm.s32 $0x1  }
0x5: {  	s15 =	simm.s32 $0x0;
	[smem:$0x7FF] =	sst s1;
	s6 =	sadd.s32 $0x1600, s4  }
0x6: {  	s3 =	sand.u32 $0x1, s3;
	s7 =	sshll.u32 s2, $0x3;
	s31 =	sadd.s32 $0x65800, s4  }
0x7: {  	_ =	strace $0x80000047;
	s5 =	ssub.s32 $0x2, s3;
	s8 =	sshll.u32 s3, $0x2  }
0x8: {  	v0 =	vimm.f32 $0.0e+00;
	v1 =	vlaneseq.u32;
	s3 =	sadd.s32 $0x65600, s4;
	s9 =	sshrl.u32 s5, $0x1;
	s7 =	sor.u32 s8, s7  }
0x9: {  	v2 =	vor.u32 $0xC300, v1;
	v3 =	vor.u32 $0xC310, v1;
	v4 =	vor.u32 $0xC320, v1;
	s9 =	ssub.s32 s5, s9;
	s10 =	sor.u32 $0x2, s7;
	s4 =	sadd.s32 s6, s7  }
0xa: {  	v5 =	vor.u32 $0xC330, v1;
	v6 =	vor.u32 $0xC340, v1;
	v7 =	vor.u32 $0xC350, v1;
	s5 =	sadd.s32 s31, s7;
	s6 =	sadd.s32 s6, s10;
	s7 =	sadd.s32 s31, s10  }
0xb: {  	v8 =	vor.u32 $0xC360, v1;
	v9 =	vor.u32 $0xC370, v1;
	v10 =	vor.u32 $0xC380, v1;
	s8 =	smax.u32 s9, $0x1;
	s9 =	simm.s32 $0x2;
	s10 =	simm.s32 $0x10  }
.LBB2_1:
0xc: {  	[tilespmem:s1], [sflag:$0x2] =	stream.linear.gather [hbm4b:s3+s1], $0xC80, $0x38;
	[tilespmem:$0x19C80] =	vst v63  }
0xd: {  	_ =	swait.ge [sflag:s9], $0xC80  }
0xe: {  	[sflag:s9] =	ssyncset.done $0x0  }
0xf: {  	[sflag:s9] =	ssyncadd.s32 $0xFFFFF380  }
0x10: {  	[tilespmem:s12], [sflag:$0x2] =	stream.strided.gather [hbm4b:s4+s10], $0xC800, s11, s10, $0x38;
	[tilespmem:$0x19C80] =	vst v63  }
0x11: {  	_ =	swait.ge [sflag:s9], $0xC800  }
0x12: {  	[sflag:s9] =	ssyncset.done $0x0  }
0x13: {  	s16 =	simm.s32 $0x0;
	s17 =	simm.s32 $0x200;
	[sflag:s9] =	ssyncadd.s32 $0xFFFF3800  }
.LBB2_2:
0x14: {  	p0 =	sne.s32 s17, $0x31E00;
	[tilespmem:s16+$0xD4F0] =	vst v0  }
0x15: {  	[tilespmem:s16+$0xD480] =	vst v0  }
0x16: {  	[tilespmem:s16+$0xD490] =	vst v0  }
.Ltmp0:
0x17: {  	[tilespmem:s16+$0xD4A0] =	vst v0;
	(pc) =	sbr.rel @p0 .LBB2_2-.Ltmp0, $4  }
0x18: {  	[tilespmem:s16+$0xD4B0] =	vst v0  }
0x19: {  	[tilespmem:s16+$0xD4C0] =	vst v0  }
0x1a: {  	[tilespmem:s16+$0xD4D0] =	vst v0  }
0x1b: {  	[tilespmem:s16+$0xD4E0] =	vst v0;
	s16 =	sshra.s32 s17, $0x2;
	s17 =	sadd.s32 $0x200, s17  }
0x1c: {  	[tilespmem:s16+$0xD4F0] =	vst v0  }
0x1d: {  	[tilespmem:s16+$0xD480] =	vst v0  }
0x1e: {  	[tilespmem:s16+$0xD490] =	vst v0  }
0x1f: {  	[tilespmem:s16+$0xD4A0] =	vst v0;
	s17 =	simm.s32 $0x0  }
0x20: {  	[tilespmem:s16+$0xD4B0] =	vst v0;
	s18 =	simm.s32 $0x10;
	v11 =	vor.u32 s17, v1  }
0x21: {  	[tilespmem:s16+$0xD4C0] =	vst v0;
	s25 =	simm.s32 $0x20;
	v12 =	vor.u32 s18, v1  }
0x22: {  	[tilespmem:s16+$0xD4D0] =	vst v0;
	s26 =	simm.s32 $0x30;
	v13 =	vor.u32 s25, v1  }
0x23: {  	[tilespmem:s16+$0xD4E0] =	vst v0;
	s16 =	simm.s32 $0x0;
	s28 =	simm.s32 $0x40;
	v14 =	vor.u32 s26, v1  }
0x24: {  	s29 =	simm.s32 $0x50;
	v15 =	vor.u32 s28, v1;
	v16 =	vld [tilespmem:s16+$0x0]  }
0x25: {  	s30 =	simm.s32 $0x60;
	v17 =	vor.u32 s29, v1;
	v11 =	vld.idx.msk [tilespmem:v11+s12+$0x0], $0xffff  }
0x26: {  	s19 =	simm.s32 $0x80;
	v18 =	vor.u32 s30, v1;
	v19 =	vld.idx.msk [tilespmem:v12+s12+$0x0], $0xffff  }
0x27: {  	s31 =	simm.s32 $0x70;
	v20 =	vor.u32 s19, v1;
	v13 =	vld.idx.msk [tilespmem:v13+s12+$0x0], $0xffff  }
0x28: {  	s20 =	simm.s32 $0x90;
	v12 =	vor.u32 s31, v1;
	v14 =	vld.idx.msk [tilespmem:v14+s12+$0x0], $0xffff  }
0x29: {  	s21 =	simm.s32 $0xA0;
	v21 =	vor.u32 s20, v1;
	v15 =	vld.idx.msk [tilespmem:v15+s12+$0x0], $0xffff;
	v16 =	vshll.u32 v16, $0x4  }
0x2a: {  	s22 =	simm.s32 $0xB0;
	v22 =	vor.u32 s21, v1;
	v17 =	vld.idx.msk [tilespmem:v17+s12+$0x0], $0xffff;
	v23 =	vbroadcast v16, $0x0  }
0x2b: {  	v24 =	vor.u32 s22, v1;
	v18 =	vld.idx.msk [tilespmem:v18+s12+$0x0], $0xffff;
	v25 =	vbroadcast v16, $0x1;
	vm0 =	vclass.f32 v11, $0x3DF  }
0x2c: {  	v20 =	vld.idx.msk [tilespmem:v20+s12+$0x0], $0xffff;
	v26 =	vbroadcast v16, $0x2;
	v23 =	vor.u32 v1, v23;
	vm1 =	vclass.f32 v19, $0x3DF  }
0x2d: {  	v25 =	vor.u32 v1, v25;
	v27 =	vld.idx.msk [tilespmem:v12+s12+$0x0], $0xffff;
	v12 =	vbroadcast v16, $0x3;
	vm2 =	vclass.f32 v13, $0x3DF  }
0x2e: {  	v29 =	vld.idx.msk [tilespmem:v21+s12+$0x0], $0xffff;
	v28 =	vbroadcast v16, $0x4;
	v21 =	vor.u32 v1, v26;
	vm3 =	vclass.f32 v14, $0x3DF  }
0x2f: {  	v30 =	vld.idx.msk [tilespmem:v22+s12+$0x0], $0xffff;
	v60 =	vbroadcast v16, $0x5;
	vm4 =	vclass.f32 v15, $0x3DF;
	v22 =	vor.u32 v1, v12  }
0x30: {  	v31 =	vbroadcast v16, $0x6;
	v61 =	vor.u32 v1, v28;
	vm5 =	vclass.f32 v17, $0x3DF  }
0x31: {  	v62 =	vbroadcast v16, $0x7;
	vm6 =	vclass.f32 v18, $0x3DF;
	v12 =	vld.idx.msk [tilespmem:v24+s12+$0x0], $0xffff;
	[tilespmem:v23+s13+$0x0] =	vst.idx.msk vm0, v11;
	v11 =	vor.u32 v1, v60  }
0x32: {  	vm7 =	vclass.f32 v27, $0x3DF;
	v23 =	vbroadcast v16, $0x8;
	[tilespmem:v25+s13+$0x0] =	vst.idx.msk vm1, v19;
	v19 =	vor.u32 v1, v31  }
0x33: {  	v63 =	vbroadcast v16, $0x9;
	vm8 =	vclass.f32 v20, $0x3DF;
	[tilespmem:v21+s13+$0x0] =	vst.idx.msk vm2, v13;
	v13 =	vor.u32 v1, v62  }
0x34: {  	v21 =	vbroadcast v16, $0xA;
	vm2 =	vclass.f32 v29, $0x3DF;
	[tilespmem:v22+s13+$0x0] =	vst.idx.msk vm3, v14;
	v22 =	vor.u32 v1, v23  }
0x35: {  	vm1 =	vclass.f32 v30, $0x3DF;
	[tilespmem:v61+s13+$0x0] =	vst.idx.msk vm4, v15;
	v15 =	vor.u32 v1, v63  }
0x36: {  	v14 =	vbroadcast v16, $0xB;
	v23 =	vor.u32 v1, v21;
	[tilespmem:v11+s13+$0x0] =	vst.idx.msk vm5, v17  }
0x37: {  	s20 =	simm.s32 $0xE0;
	vm0 =	vclass.f32 v12, $0x3DF;
	[tilespmem:v19+s13+$0x0] =	vst.idx.msk vm6, v18  }
0x38: {  	s23 =	simm.s32 $0x170;
	s19 =	simm.s32 $0xD0;
	s26 =	simm.s32 $0x100;
	v16 =	vor.u32 s20, v1;
	v14 =	vor.u32 v1, v14;
	[tilespmem:v13+s13+$0x0] =	vst.idx.msk vm7, v27  }
0x39: {  	s24 =	simm.s32 $0xC0;
	s28 =	simm.s32 $0x110;
	s31 =	simm.s32 $0x140;
	v21 =	vor.u32 s26, v1;
	v11 =	vor.u32 s23, v1;
	v17 =	vor.u32 s19, v1;
	[tilespmem:v22+s13+$0x0] =	vst.idx.msk vm8, v20  }
0x3a: {  	s25 =	simm.s32 $0xF0;
	s29 =	simm.s32 $0x120;
	s30 =	simm.s32 $0x130;
	v18 =	vor.u32 s24, v1;
	v19 =	vor.u32 s28, v1;
	v13 =	vor.u32 s31, v1;
	[tilespmem:v15+s13+$0x0] =	vst.idx.msk vm2, v29  }
0x3b: {  	s17 =	simm.s32 $0x23;
	s20 =	simm.s32 $0x150;
	s19 =	simm.s32 $0x160;
	v22 =	vor.u32 s25, v1;
	v20 =	vor.u32 s29, v1;
	v15 =	vor.u32 s30, v1;
	[tilespmem:v23+s13+$0x0] =	vst.idx.msk vm1, v30  }
.LBB2_4:
0x3c: {  	p0 =	sne.s32 s17, $0xC2F  }
0x3d: {  	[tilespmem:v14+s13+$0x0] =	vst.idx.msk vm0, v12;
	s16 =	sadd.s32 $0xC, s16;
	s18 =	smov.u32 s17;
	s17 =	sadd.s32 $0xC, s17  }
0x3e: {  	v12 =	vld [tilespmem:s16+$0x0]  }
0x3f: {  	v14 =	vld.idx.msk [tilespmem:v18+s12+$0x0], $0xffff  }
0x40: {  	v17 =	vld.idx.msk [tilespmem:v17+s12+$0x0], $0xffff  }
0x41: {  	v16 =	vld.idx.msk [tilespmem:v16+s12+$0x0], $0xffff  }
0x42: {  	v18 =	vld.idx.msk [tilespmem:v22+s12+$0x0], $0xffff  }
0x43: {  	v22 =	vor.u32 s20, v1;
	v21 =	vld.idx.msk [tilespmem:v21+s12+$0x0], $0xffff;
	v23 =	vshll.u32 v12, $0x4  }
0x44: {  	v12 =	vor.u32 s19, v1;
	v19 =	vld.idx.msk [tilespmem:v19+s12+$0x0], $0xffff;
	v24 =	vbroadcast v23, $0x0;
	v25 =	vbroadcast v23, $0x1  }
0x45: {  	vm0 =	vclass.f32 v14, $0x3DF;
	v26 =	vbroadcast v23, $0x2;
	v27 =	vbroadcast v23, $0x3;
	v20 =	vld.idx.msk [tilespmem:v20+s12+$0x0], $0xffff  }
0x46: {  	v28 =	vbroadcast v23, $0x4;
	vm1 =	vclass.f32 v17, $0x3DF;
	v15 =	vld.idx.msk [tilespmem:v15+s12+$0x0], $0xffff;
	v24 =	vor.u32 v1, v24  }
0x47: {  	v29 =	vbroadcast v23, $0x5;
	vm2 =	vclass.f32 v16, $0x3DF;
	v25 =	vor.u32 v1, v25;
	v13 =	vld.idx.msk [tilespmem:v13+s12+$0x0], $0xffff  }
0x48: {  	vm4 =	vclass.f32 v18, $0x3DF;
	v30 =	vld.idx.msk [tilespmem:v22+s12+$0x0], $0xffff;
	v22 =	vor.u32 v1, v26;
	v26 =	vbroadcast v23, $0x6  }
0x49: {  	v32 =	vbroadcast v23, $0x7;
	v27 =	vor.u32 v1, v27;
	vm5 =	vclass.f32 v21, $0x3DF;
	v31 =	vld.idx.msk [tilespmem:v12+s12+$0x0], $0xffff  }
0x4a: {  	vm6 =	vclass.f32 v19, $0x3DF;
	v12 =	vld.idx.msk [tilespmem:v11+s12+$0x0], $0xffff;
	v11 =	vor.u32 v1, v28;
	v28 =	vbroadcast v23, $0x8  }
0x4b: {  	vm7 =	vclass.f32 v20, $0x3DF;
	[tilespmem:v24+s13+$0x0] =	vst.idx.msk vm0, v14;
	v14 =	vor.u32 v1, v29;
	v24 =	vbroadcast v23, $0x9  }
0x4c: {  	vm8 =	vclass.f32 v15, $0x3DF;
	[tilespmem:v25+s13+$0x0] =	vst.idx.msk vm1, v17;
	v17 =	vor.u32 v1, v26;
	v25 =	vbroadcast v23, $0xA  }
0x4d: {  	vm3 =	vclass.f32 v13, $0x3DF;
	[tilespmem:v22+s13+$0x0] =	vst.idx.msk vm2, v16;
	v16 =	vor.u32 v1, v32;
	v22 =	vbroadcast v23, $0xB  }
0x4e: {  	vm2 =	vclass.f32 v30, $0x3DF;
	v23 =	vor.u32 v1, v28;
	[tilespmem:v27+s13+$0x0] =	vst.idx.msk vm4, v18  }
0x4f: {  	v24 =	vor.u32 v1, v24;
	vm1 =	vclass.f32 v31, $0x3DF;
	[tilespmem:v11+s13+$0x0] =	vst.idx.msk vm5, v21  }
0x50: {  	v25 =	vor.u32 v1, v25;
	vm0 =	vclass.f32 v12, $0x3DF;
	[tilespmem:v14+s13+$0x0] =	vst.idx.msk vm6, v19  }
.Ltmp1:
0x51: {  	s18 =	sshll.u32 s18, $0x4;
	v14 =	vor.u32 v1, v22;
	[tilespmem:v17+s13+$0x0] =	vst.idx.msk vm7, v20;
	(pc) =	sbr.rel @p0 .LBB2_4-.Ltmp1, $4  }
0x52: {  	s21 =	sadd.s32 $0xFFFFFF70, s18;
	s20 =	sadd.s32 $0xFFFFFF60, s18;
	s19 =	sadd.s32 $0xFFFFFF50, s18;
	v11 =	vor.u32 s18, v1;
	[tilespmem:v16+s13+$0x0] =	vst.idx.msk vm8, v15  }
0x53: {  	v18 =	vor.u32 s19, v1;
	s19 =	sadd.s32 $0xFFFFFF80, s18;
	v17 =	vor.u32 s20, v1;
	s20 =	sadd.s32 $0xFFFFFF90, s18;
	v16 =	vor.u32 s21, v1;
	s21 =	sadd.s32 $0xFFFFFFA0, s18;
	[tilespmem:v23+s13+$0x0] =	vst.idx.msk vm3, v13  }
0x54: {  	v22 =	vor.u32 s19, v1;
	s19 =	sadd.s32 $0xFFFFFFB0, s18;
	v21 =	vor.u32 s20, v1;
	s20 =	sadd.s32 $0xFFFFFFC0, s18;
	v19 =	vor.u32 s21, v1;
	s21 =	sadd.s32 $0xFFFFFFD0, s18;
	[tilespmem:v24+s13+$0x0] =	vst.idx.msk vm2, v30  }
0x55: {  	v20 =	vor.u32 s19, v1;
	s19 =	sadd.s32 $0xFFFFFFF0, s18;
	v15 =	vor.u32 s20, v1;
	s20 =	sadd.s32 $0xFFFFFFE0, s18;
	v13 =	vor.u32 s21, v1;
	[tilespmem:v25+s13+$0x0] =	vst.idx.msk vm1, v31  }
0x56: {  	_ =	sdelay $0x4  }
0x57: {  	[tilespmem:v14+s13+$0x0] =	vst.idx.msk vm0, v12;
	s16 =	sadd.s32 $0xC, s16  }
0x58: {  	v12 =	vld [tilespmem:s16+$0x0];
	_ =	sdelay $0x1  }
0x59: {  	v14 =	vld.idx.msk [tilespmem:v18+s12+$0x0], $0xffff  }
0x5a: {  	v17 =	vld.idx.msk [tilespmem:v17+s12+$0x0], $0xffff  }
0x5b: {  	v16 =	vld.idx.msk [tilespmem:v16+s12+$0x0], $0xffff  }
0x5c: {  	v41 =	vld.idx.msk [tilespmem:v22+s12+$0x0], $0xffff;
	v12 =	vshll.u32 v12, $0x4  }
0x5d: {  	v42 =	vor.u32 s20, v1;
	v21 =	vld.idx.msk [tilespmem:v21+s12+$0x0], $0xffff;
	v24 =	vbroadcast v12, $0x0  }
0x5e: {  	v23 =	vor.u32 s19, v1;
	v19 =	vld.idx.msk [tilespmem:v19+s12+$0x0], $0xffff;
	vm15 =	vclass.f32 v14, $0x3DF;
	v25 =	vbroadcast v12, $0x1  }
0x5f: {  	v20 =	vld.idx.msk [tilespmem:v20+s12+$0x0], $0xffff;
	vm1 =	vclass.f32 v17, $0x3DF;
	v26 =	vbroadcast v12, $0x2;
	v24 =	vor.u32 v1, v24  }
0x60: {  	v15 =	vld.idx.msk [tilespmem:v15+s12+$0x0], $0xffff;
	vm2 =	vclass.f32 v16, $0x3DF;
	v27 =	vbroadcast v12, $0x3;
	v25 =	vor.u32 v1, v25  }
0x61: {  	v13 =	vld.idx.msk [tilespmem:v13+s12+$0x0], $0xffff;
	vm3 =	vclass.f32 v41, $0x3DF;
	v28 =	vbroadcast v12, $0x4;
	v26 =	vor.u32 v1, v26  }
0x62: {  	v22 =	vld.idx.msk [tilespmem:v42+s12+$0x0], $0xffff;
	vm4 =	vclass.f32 v21, $0x3DF;
	v29 =	vbroadcast v12, $0x5;
	v27 =	vor.u32 v1, v27  }
0x63: {  	v23 =	vld.idx.msk [tilespmem:v23+s12+$0x0], $0xffff;
	vm5 =	vclass.f32 v19, $0x3DF;
	v30 =	vbroadcast v12, $0x6;
	v28 =	vor.u32 v1, v28  }
0x64: {  	v11 =	vld.idx.msk [tilespmem:v11+s12+$0x0], $0xffff;
	vm6 =	vclass.f32 v20, $0x3DF;
	v31 =	vbroadcast v12, $0x7;
	v43 =	vor.u32 v1, v29;
	[tilespmem:v24+s13+$0x0] =	vst.idx.msk vm15, v14  }
0x65: {  	vm9 =	vclass.f32 v15, $0x3DF;
	v44 =	vbroadcast v12, $0x8;
	v45 =	vor.u32 v1, v30;
	[tilespmem:v25+s13+$0x0] =	vst.idx.msk vm1, v17  }
0x66: {  	vm10 =	vclass.f32 v13, $0x3DF;
	v46 =	vbroadcast v12, $0x9;
	v47 =	vor.u32 v1, v31;
	[tilespmem:v26+s13+$0x0] =	vst.idx.msk vm2, v16  }
0x67: {  	v48 =	vbroadcast v12, $0xA;
	v49 =	vor.u32 v1, v44;
	vm11 =	vclass.f32 v22, $0x3DF;
	[tilespmem:v27+s13+$0x0] =	vst.idx.msk vm3, v41  }
0x68: {  	v12 =	vbroadcast v12, $0xB;
	v50 =	vor.u32 v1, v46;
	vm12 =	vclass.f32 v23, $0x3DF;
	[tilespmem:v28+s13+$0x0] =	vst.idx.msk vm4, v21  }
0x69: {  	vm13 =	vclass.f32 v11, $0x3DF;
	v51 =	vor.u32 v1, v48;
	[tilespmem:v43+s13+$0x0] =	vst.idx.msk vm5, v19  }
0x6a: {  	v12 =	vor.u32 v1, v12;
	[tilespmem:v45+s13+$0x0] =	vst.idx.msk vm6, v20  }
0x6b: {  	[tilespmem:v47+s13+$0x0] =	vst.idx.msk vm9, v15  }
0x6c: {  	[tilespmem:v49+s13+$0x0] =	vst.idx.msk vm10, v13  }
0x6d: {  	[tilespmem:v50+s13+$0x0] =	vst.idx.msk vm11, v22  }
0x6e: {  	[tilespmem:v51+s13+$0x0] =	vst.idx.msk vm12, v23  }
0x6f: {  	[tilespmem:v12+s13+$0x0] =	vst.idx.msk vm13, v11  }
0x70: {  	v11 =	vld [tilespmem:$0xC30];
	_ =	sdelay $0x1  }
0x71: {  	v12 =	vld.idx.msk [tilespmem:v2+s12+$0x0], $0xffff  }
0x72: {  	v13 =	vld.idx.msk [tilespmem:v3+s12+$0x0], $0xffff  }
0x73: {  	v14 =	vld.idx.msk [tilespmem:v4+s12+$0x0], $0xffff  }
0x74: {  	v15 =	vld.idx.msk [tilespmem:v5+s12+$0x0], $0xffff;
	v11 =	vshll.u32 v11, $0x4  }
0x75: {  	v16 =	vld.idx.msk [tilespmem:v6+s12+$0x0], $0xffff;
	v52 =	vbroadcast v11, $0x0  }
0x76: {  	v18 =	vld.idx.msk [tilespmem:v7+s12+$0x0], $0xffff;
	vm14 =	vclass.f32 v12, $0x3DF;
	v53 =	vbroadcast v11, $0x1  }
0x77: {  	v20 =	vld.idx.msk [tilespmem:v8+s12+$0x0], $0xffff;
	vm15 =	vclass.f32 v13, $0x3DF;
	v54 =	vbroadcast v11, $0x2;
	v17 =	vor.u32 v1, v52  }
0x78: {  	v22 =	vld.idx.msk [tilespmem:v9+s12+$0x0], $0xffff;
	vm9 =	vclass.f32 v14, $0x3DF;
	v55 =	vbroadcast v11, $0x3;
	v19 =	vor.u32 v1, v53  }
0x79: {  	v56 =	vld.idx.msk [tilespmem:v10+s12+$0x0], $0xffff;
	vm10 =	vclass.f32 v15, $0x3DF;
	v57 =	vbroadcast v11, $0x4;
	v21 =	vor.u32 v1, v54  }
0x7a: {  	vm11 =	vclass.f32 v16, $0x3DF;
	v58 =	vbroadcast v11, $0x5;
	v23 =	vor.u32 v1, v55  }
0x7b: {  	vm12 =	vclass.f32 v18, $0x3DF;
	v59 =	vbroadcast v11, $0x6;
	v25 =	vor.u32 v1, v57  }
0x7c: {  	vm13 =	vclass.f32 v20, $0x3DF;
	v61 =	vbroadcast v11, $0x7;
	v60 =	vor.u32 v1, v58;
	[tilespmem:v17+s13+$0x0] =	vst.idx.msk vm14, v12  }
0x7d: {  	v11 =	vbroadcast v11, $0x8;
	v62 =	vor.u32 v1, v59;
	vm14 =	vclass.f32 v22, $0x3DF;
	[tilespmem:v19+s13+$0x0] =	vst.idx.msk vm15, v13  }
0x7e: {  	v63 =	vor.u32 v1, v61;
	vm15 =	vclass.f32 v56, $0x3DF;
	[tilespmem:v21+s13+$0x0] =	vst.idx.msk vm9, v14  }
0x7f: {  	v11 =	vor.u32 v1, v11;
	[tilespmem:v23+s13+$0x0] =	vst.idx.msk vm10, v15  }
0x80: {  	[tilespmem:v25+s13+$0x0] =	vst.idx.msk vm11, v16  }
0x81: {  	[tilespmem:v60+s13+$0x0] =	vst.idx.msk vm12, v18  }
0x82: {  	[tilespmem:v62+s13+$0x0] =	vst.idx.msk vm13, v20  }
0x83: {  	[tilespmem:v63+s13+$0x0] =	vst.idx.msk vm14, v22  }
0x84: {  	[tilespmem:v11+s13+$0x0] =	vst.idx.msk vm15, v56  }
0x85: {  	[hbm4b:s5+s10] =	stream.strided.scatter [tilespmem:s13], [sflag:$0x1], $0xC800, s11, s10, $0x38;
	[tilespmem:$0x19C80] =	vst v63  }
0x86: {  	_ = 	snop  }
0x87: {  	[tilespmem:s12], [sflag:$0x2] =	stream.strided.gather [hbm4b:s6+s10], $0xC800, s11, s10, $0x38;
	[tilespmem:$0x19C80] =	vst v63  }
0x88: {  	_ =	swait.ge [sflag:s9], $0xC800  }
0x89: {  	[sflag:s9] =	ssyncset.done $0x0  }
0x8a: {  	[sflag:s9] =	ssyncadd.s32 $0xFFFF3800  }
0x8b: {  	_ =	swait.ge [sflag:s14], $0xC800  }
0x8c: {  	s17 =	simm.s32 $0x0;
	[sflag:s14] =	ssyncset.done $0x0  }
0x8d: {  	s18 =	simm.s32 $0x200;
	s16 =	simm.s32 $0x0;
	[sflag:s14] =	ssyncadd.s32 $0xFFFF3800  }
.LBB2_6:
0x8e: {  	p0 =	sne.s32 s18, $0x31E00;
	[tilespmem:s17+$0xD4F0] =	vst v0  }
0x8f: {  	[tilespmem:s17+$0xD480] =	vst v0  }
0x90: {  	[tilespmem:s17+$0xD490] =	vst v0  }
.Ltmp2:
0x91: {  	[tilespmem:s17+$0xD4A0] =	vst v0;
	(pc) =	sbr.rel @p0 .LBB2_6-.Ltmp2, $4  }
0x92: {  	[tilespmem:s17+$0xD4B0] =	vst v0  }
0x93: {  	[tilespmem:s17+$0xD4C0] =	vst v0  }
0x94: {  	[tilespmem:s17+$0xD4D0] =	vst v0  }
0x95: {  	[tilespmem:s17+$0xD4E0] =	vst v0;
	s17 =	sshra.s32 s18, $0x2;
	s18 =	sadd.s32 $0x200, s18  }
0x96: {  	[tilespmem:s17+$0xD4F0] =	vst v0  }
0x97: {  	[tilespmem:s17+$0xD480] =	vst v0  }
0x98: {  	[tilespmem:s17+$0xD490] =	vst v0  }
0x99: {  	[tilespmem:s17+$0xD4A0] =	vst v0;
	s18 =	simm.s32 $0x0  }
0x9a: {  	[tilespmem:s17+$0xD4B0] =	vst v0;
	s19 =	simm.s32 $0x10;
	v11 =	vor.u32 s18, v1  }
0x9b: {  	[tilespmem:s17+$0xD4C0] =	vst v0;
	s24 =	simm.s32 $0x20;
	v12 =	vor.u32 s19, v1  }
0x9c: {  	[tilespmem:s17+$0xD4D0] =	vst v0;
	s25 =	simm.s32 $0x30;
	v13 =	vor.u32 s24, v1  }
0x9d: {  	[tilespmem:s17+$0xD4E0] =	vst v0;
	s26 =	simm.s32 $0x40;
	v14 =	vor.u32 s25, v1  }
0x9e: {  	s28 =	simm.s32 $0x50;
	v15 =	vor.u32 s26, v1;
	v16 =	vld [tilespmem:s16+$0x0]  }
0x9f: {  	s29 =	simm.s32 $0x60;
	v17 =	vor.u32 s28, v1;
	v11 =	vld.idx.msk [tilespmem:v11+s12+$0x0], $0xffff  }
0xa0: {  	s31 =	simm.s32 $0x80;
	v18 =	vor.u32 s29, v1;
	v19 =	vld.idx.msk [tilespmem:v12+s12+$0x0], $0xffff  }
0xa1: {  	s30 =	simm.s32 $0x70;
	v20 =	vor.u32 s31, v1;
	v13 =	vld.idx.msk [tilespmem:v13+s12+$0x0], $0xffff  }
0xa2: {  	s19 =	simm.s32 $0x90;
	v12 =	vor.u32 s30, v1;
	v14 =	vld.idx.msk [tilespmem:v14+s12+$0x0], $0xffff  }
0xa3: {  	s20 =	simm.s32 $0xA0;
	v21 =	vor.u32 s19, v1;
	v15 =	vld.idx.msk [tilespmem:v15+s12+$0x0], $0xffff;
	v16 =	vshll.u32 v16, $0x4  }
0xa4: {  	s21 =	simm.s32 $0xB0;
	v22 =	vor.u32 s20, v1;
	v17 =	vld.idx.msk [tilespmem:v17+s12+$0x0], $0xffff;
	v23 =	vbroadcast v16, $0x0  }
0xa5: {  	v24 =	vor.u32 s21, v1;
	v18 =	vld.idx.msk [tilespmem:v18+s12+$0x0], $0xffff;
	v25 =	vbroadcast v16, $0x1;
	vm0 =	vclass.f32 v11, $0x3DF  }
0xa6: {  	v20 =	vld.idx.msk [tilespmem:v20+s12+$0x0], $0xffff;
	v26 =	vbroadcast v16, $0x2;
	v23 =	vor.u32 v1, v23;
	vm1 =	vclass.f32 v19, $0x3DF  }
0xa7: {  	v25 =	vor.u32 v1, v25;
	v27 =	vld.idx.msk [tilespmem:v12+s12+$0x0], $0xffff;
	v12 =	vbroadcast v16, $0x3;
	vm2 =	vclass.f32 v13, $0x3DF  }
0xa8: {  	v28 =	vbroadcast v16, $0x4;
	v29 =	vld.idx.msk [tilespmem:v21+s12+$0x0], $0xffff;
	v21 =	vor.u32 v1, v26;
	vm3 =	vclass.f32 v14, $0x3DF  }
0xa9: {  	v30 =	vld.idx.msk [tilespmem:v22+s12+$0x0], $0xffff;
	v60 =	vbroadcast v16, $0x5;
	vm4 =	vclass.f32 v15, $0x3DF;
	v22 =	vor.u32 v1, v12  }
0xaa: {  	v31 =	vbroadcast v16, $0x6;
	v61 =	vor.u32 v1, v28;
	vm5 =	vclass.f32 v17, $0x3DF  }
0xab: {  	v62 =	vbroadcast v16, $0x7;
	vm6 =	vclass.f32 v18, $0x3DF;
	v12 =	vld.idx.msk [tilespmem:v24+s12+$0x0], $0xffff;
	[tilespmem:v23+s13+$0x0] =	vst.idx.msk vm0, v11;
	v11 =	vor.u32 v1, v60  }
0xac: {  	vm7 =	vclass.f32 v27, $0x3DF;
	v23 =	vbroadcast v16, $0x8;
	[tilespmem:v25+s13+$0x0] =	vst.idx.msk vm1, v19;
	v19 =	vor.u32 v1, v31  }
0xad: {  	v63 =	vbroadcast v16, $0x9;
	vm8 =	vclass.f32 v20, $0x3DF;
	[tilespmem:v21+s13+$0x0] =	vst.idx.msk vm2, v13;
	v13 =	vor.u32 v1, v62  }
0xae: {  	v21 =	vbroadcast v16, $0xA;
	vm2 =	vclass.f32 v29, $0x3DF;
	[tilespmem:v22+s13+$0x0] =	vst.idx.msk vm3, v14;
	v22 =	vor.u32 v1, v23  }
0xaf: {  	vm1 =	vclass.f32 v30, $0x3DF;
	[tilespmem:v61+s13+$0x0] =	vst.idx.msk vm4, v15;
	v15 =	vor.u32 v1, v63  }
0xb0: {  	v14 =	vbroadcast v16, $0xB;
	v23 =	vor.u32 v1, v21;
	[tilespmem:v11+s13+$0x0] =	vst.idx.msk vm5, v17  }
0xb1: {  	s20 =	simm.s32 $0xE0;
	vm0 =	vclass.f32 v12, $0x3DF;
	[tilespmem:v19+s13+$0x0] =	vst.idx.msk vm6, v18  }
0xb2: {  	s22 =	simm.s32 $0x170;
	s24 =	simm.s32 $0xD0;
	s26 =	simm.s32 $0x100;
	v16 =	vor.u32 s20, v1;
	v14 =	vor.u32 v1, v14;
	[tilespmem:v13+s13+$0x0] =	vst.idx.msk vm7, v27  }
0xb3: {  	s23 =	simm.s32 $0xC0;
	s28 =	simm.s32 $0x110;
	s31 =	simm.s32 $0x140;
	v21 =	vor.u32 s26, v1;
	v11 =	vor.u32 s22, v1;
	v17 =	vor.u32 s24, v1;
	[tilespmem:v22+s13+$0x0] =	vst.idx.msk vm8, v20  }
0xb4: {  	s25 =	simm.s32 $0xF0;
	s29 =	simm.s32 $0x120;
	s30 =	simm.s32 $0x130;
	v18 =	vor.u32 s23, v1;
	v19 =	vor.u32 s28, v1;
	v13 =	vor.u32 s31, v1;
	[tilespmem:v15+s13+$0x0] =	vst.idx.msk vm2, v29  }
0xb5: {  	s17 =	simm.s32 $0x23;
	s19 =	simm.s32 $0x160;
	s20 =	simm.s32 $0x150;
	v22 =	vor.u32 s25, v1;
	v20 =	vor.u32 s29, v1;
	v15 =	vor.u32 s30, v1;
	[tilespmem:v23+s13+$0x0] =	vst.idx.msk vm1, v30  }
.LBB2_8:
0xb6: {  	p0 =	sne.s32 s17, $0xC2F  }
0xb7: {  	[tilespmem:v14+s13+$0x0] =	vst.idx.msk vm0, v12;
	s16 =	sadd.s32 $0xC, s16;
	s18 =	smov.u32 s17;
	s17 =	sadd.s32 $0xC, s17  }
0xb8: {  	v12 =	vld [tilespmem:s16+$0x0]  }
0xb9: {  	v14 =	vld.idx.msk [tilespmem:v18+s12+$0x0], $0xffff  }
0xba: {  	v17 =	vld.idx.msk [tilespmem:v17+s12+$0x0], $0xffff  }
0xbb: {  	v16 =	vld.idx.msk [tilespmem:v16+s12+$0x0], $0xffff  }
0xbc: {  	v18 =	vld.idx.msk [tilespmem:v22+s12+$0x0], $0xffff  }
0xbd: {  	v22 =	vor.u32 s20, v1;
	v21 =	vld.idx.msk [tilespmem:v21+s12+$0x0], $0xffff;
	v23 =	vshll.u32 v12, $0x4  }
0xbe: {  	v12 =	vor.u32 s19, v1;
	v19 =	vld.idx.msk [tilespmem:v19+s12+$0x0], $0xffff;
	v24 =	vbroadcast v23, $0x0;
	v25 =	vbroadcast v23, $0x1  }
0xbf: {  	vm0 =	vclass.f32 v14, $0x3DF;
	v26 =	vbroadcast v23, $0x2;
	v27 =	vbroadcast v23, $0x3;
	v20 =	vld.idx.msk [tilespmem:v20+s12+$0x0], $0xffff  }
0xc0: {  	v28 =	vbroadcast v23, $0x4;
	vm1 =	vclass.f32 v17, $0x3DF;
	v15 =	vld.idx.msk [tilespmem:v15+s12+$0x0], $0xffff;
	v24 =	vor.u32 v1, v24  }
0xc1: {  	v29 =	vbroadcast v23, $0x5;
	vm2 =	vclass.f32 v16, $0x3DF;
	v25 =	vor.u32 v1, v25;
	v13 =	vld.idx.msk [tilespmem:v13+s12+$0x0], $0xffff  }
0xc2: {  	vm4 =	vclass.f32 v18, $0x3DF;
	v30 =	vld.idx.msk [tilespmem:v22+s12+$0x0], $0xffff;
	v22 =	vor.u32 v1, v26;
	v26 =	vbroadcast v23, $0x6  }
0xc3: {  	v32 =	vbroadcast v23, $0x7;
	v27 =	vor.u32 v1, v27;
	vm5 =	vclass.f32 v21, $0x3DF;
	v31 =	vld.idx.msk [tilespmem:v12+s12+$0x0], $0xffff  }
0xc4: {  	vm6 =	vclass.f32 v19, $0x3DF;
	v12 =	vld.idx.msk [tilespmem:v11+s12+$0x0], $0xffff;
	v11 =	vor.u32 v1, v28;
	v28 =	vbroadcast v23, $0x8  }
0xc5: {  	vm7 =	vclass.f32 v20, $0x3DF;
	[tilespmem:v24+s13+$0x0] =	vst.idx.msk vm0, v14;
	v14 =	vor.u32 v1, v29;
	v24 =	vbroadcast v23, $0x9  }
0xc6: {  	vm8 =	vclass.f32 v15, $0x3DF;
	[tilespmem:v25+s13+$0x0] =	vst.idx.msk vm1, v17;
	v17 =	vor.u32 v1, v26;
	v25 =	vbroadcast v23, $0xA  }
0xc7: {  	vm3 =	vclass.f32 v13, $0x3DF;
	[tilespmem:v22+s13+$0x0] =	vst.idx.msk vm2, v16;
	v16 =	vor.u32 v1, v32;
	v22 =	vbroadcast v23, $0xB  }
0xc8: {  	vm2 =	vclass.f32 v30, $0x3DF;
	v23 =	vor.u32 v1, v28;
	[tilespmem:v27+s13+$0x0] =	vst.idx.msk vm4, v18  }
0xc9: {  	v24 =	vor.u32 v1, v24;
	vm1 =	vclass.f32 v31, $0x3DF;
	[tilespmem:v11+s13+$0x0] =	vst.idx.msk vm5, v21  }
0xca: {  	v25 =	vor.u32 v1, v25;
	vm0 =	vclass.f32 v12, $0x3DF;
	[tilespmem:v14+s13+$0x0] =	vst.idx.msk vm6, v19  }
.Ltmp3:
0xcb: {  	s18 =	sshll.u32 s18, $0x4;
	v14 =	vor.u32 v1, v22;
	[tilespmem:v17+s13+$0x0] =	vst.idx.msk vm7, v20;
	(pc) =	sbr.rel @p0 .LBB2_8-.Ltmp3, $4  }
0xcc: {  	s21 =	sadd.s32 $0xFFFFFF70, s18;
	s20 =	sadd.s32 $0xFFFFFF60, s18;
	s19 =	sadd.s32 $0xFFFFFF50, s18;
	v11 =	vor.u32 s18, v1;
	[tilespmem:v16+s13+$0x0] =	vst.idx.msk vm8, v15  }
0xcd: {  	v18 =	vor.u32 s19, v1;
	s19 =	sadd.s32 $0xFFFFFF80, s18;
	v17 =	vor.u32 s20, v1;
	s20 =	sadd.s32 $0xFFFFFF90, s18;
	v16 =	vor.u32 s21, v1;
	s21 =	sadd.s32 $0xFFFFFFA0, s18;
	[tilespmem:v23+s13+$0x0] =	vst.idx.msk vm3, v13  }
0xce: {  	v22 =	vor.u32 s19, v1;
	s19 =	sadd.s32 $0xFFFFFFB0, s18;
	v21 =	vor.u32 s20, v1;
	s20 =	sadd.s32 $0xFFFFFFC0, s18;
	v19 =	vor.u32 s21, v1;
	s21 =	sadd.s32 $0xFFFFFFD0, s18;
	[tilespmem:v24+s13+$0x0] =	vst.idx.msk vm2, v30  }
0xcf: {  	v20 =	vor.u32 s19, v1;
	s19 =	sadd.s32 $0xFFFFFFF0, s18;
	v15 =	vor.u32 s20, v1;
	s20 =	sadd.s32 $0xFFFFFFE0, s18;
	v13 =	vor.u32 s21, v1;
	[tilespmem:v25+s13+$0x0] =	vst.idx.msk vm1, v31  }
0xd0: {  	_ =	sdelay $0x4  }
0xd1: {  	[tilespmem:v14+s13+$0x0] =	vst.idx.msk vm0, v12;
	s16 =	sadd.s32 $0xC, s16  }
0xd2: {  	v12 =	vld [tilespmem:s16+$0x0];
	_ =	sdelay $0x1  }
0xd3: {  	v14 =	vld.idx.msk [tilespmem:v18+s12+$0x0], $0xffff  }
0xd4: {  	v17 =	vld.idx.msk [tilespmem:v17+s12+$0x0], $0xffff  }
0xd5: {  	v16 =	vld.idx.msk [tilespmem:v16+s12+$0x0], $0xffff  }
0xd6: {  	v41 =	vld.idx.msk [tilespmem:v22+s12+$0x0], $0xffff;
	v12 =	vshll.u32 v12, $0x4  }
0xd7: {  	v42 =	vor.u32 s20, v1;
	v21 =	vld.idx.msk [tilespmem:v21+s12+$0x0], $0xffff;
	v24 =	vbroadcast v12, $0x0  }
0xd8: {  	v23 =	vor.u32 s19, v1;
	v19 =	vld.idx.msk [tilespmem:v19+s12+$0x0], $0xffff;
	vm15 =	vclass.f32 v14, $0x3DF;
	v25 =	vbroadcast v12, $0x1  }
0xd9: {  	v20 =	vld.idx.msk [tilespmem:v20+s12+$0x0], $0xffff;
	vm1 =	vclass.f32 v17, $0x3DF;
	v26 =	vbroadcast v12, $0x2;
	v24 =	vor.u32 v1, v24  }
0xda: {  	v15 =	vld.idx.msk [tilespmem:v15+s12+$0x0], $0xffff;
	vm2 =	vclass.f32 v16, $0x3DF;
	v27 =	vbroadcast v12, $0x3;
	v25 =	vor.u32 v1, v25  }
0xdb: {  	v13 =	vld.idx.msk [tilespmem:v13+s12+$0x0], $0xffff;
	vm3 =	vclass.f32 v41, $0x3DF;
	v28 =	vbroadcast v12, $0x4;
	v26 =	vor.u32 v1, v26  }
0xdc: {  	v22 =	vld.idx.msk [tilespmem:v42+s12+$0x0], $0xffff;
	vm4 =	vclass.f32 v21, $0x3DF;
	v29 =	vbroadcast v12, $0x5;
	v27 =	vor.u32 v1, v27  }
0xdd: {  	v23 =	vld.idx.msk [tilespmem:v23+s12+$0x0], $0xffff;
	vm5 =	vclass.f32 v19, $0x3DF;
	v30 =	vbroadcast v12, $0x6;
	v28 =	vor.u32 v1, v28  }
0xde: {  	v11 =	vld.idx.msk [tilespmem:v11+s12+$0x0], $0xffff;
	vm6 =	vclass.f32 v20, $0x3DF;
	v31 =	vbroadcast v12, $0x7;
	v43 =	vor.u32 v1, v29;
	[tilespmem:v24+s13+$0x0] =	vst.idx.msk vm15, v14  }
0xdf: {  	vm9 =	vclass.f32 v15, $0x3DF;
	v44 =	vbroadcast v12, $0x8;
	v45 =	vor.u32 v1, v30;
	[tilespmem:v25+s13+$0x0] =	vst.idx.msk vm1, v17  }
0xe0: {  	vm10 =	vclass.f32 v13, $0x3DF;
	v46 =	vbroadcast v12, $0x9;
	v47 =	vor.u32 v1, v31;
	[tilespmem:v26+s13+$0x0] =	vst.idx.msk vm2, v16  }
0xe1: {  	v48 =	vbroadcast v12, $0xA;
	v49 =	vor.u32 v1, v44;
	vm11 =	vclass.f32 v22, $0x3DF;
	[tilespmem:v27+s13+$0x0] =	vst.idx.msk vm3, v41  }
0xe2: {  	v12 =	vbroadcast v12, $0xB;
	v50 =	vor.u32 v1, v46;
	vm12 =	vclass.f32 v23, $0x3DF;
	[tilespmem:v28+s13+$0x0] =	vst.idx.msk vm4, v21  }
0xe3: {  	vm13 =	vclass.f32 v11, $0x3DF;
	v51 =	vor.u32 v1, v48;
	[tilespmem:v43+s13+$0x0] =	vst.idx.msk vm5, v19  }
0xe4: {  	v12 =	vor.u32 v1, v12;
	[tilespmem:v45+s13+$0x0] =	vst.idx.msk vm6, v20  }
0xe5: {  	[tilespmem:v47+s13+$0x0] =	vst.idx.msk vm9, v15  }
0xe6: {  	[tilespmem:v49+s13+$0x0] =	vst.idx.msk vm10, v13  }
0xe7: {  	[tilespmem:v50+s13+$0x0] =	vst.idx.msk vm11, v22  }
0xe8: {  	[tilespmem:v51+s13+$0x0] =	vst.idx.msk vm12, v23  }
0xe9: {  	[tilespmem:v12+s13+$0x0] =	vst.idx.msk vm13, v11  }
0xea: {  	v11 =	vld [tilespmem:$0xC30];
	_ =	sdelay $0x1  }
0xeb: {  	v12 =	vld.idx.msk [tilespmem:v2+s12+$0x0], $0xffff  }
0xec: {  	v13 =	vld.idx.msk [tilespmem:v3+s12+$0x0], $0xffff  }
0xed: {  	v14 =	vld.idx.msk [tilespmem:v4+s12+$0x0], $0xffff  }
0xee: {  	v15 =	vld.idx.msk [tilespmem:v5+s12+$0x0], $0xffff;
	v11 =	vshll.u32 v11, $0x4  }
0xef: {  	v16 =	vld.idx.msk [tilespmem:v6+s12+$0x0], $0xffff;
	v52 =	vbroadcast v11, $0x0  }
0xf0: {  	v18 =	vld.idx.msk [tilespmem:v7+s12+$0x0], $0xffff;
	vm14 =	vclass.f32 v12, $0x3DF;
	v53 =	vbroadcast v11, $0x1  }
0xf1: {  	v20 =	vld.idx.msk [tilespmem:v8+s12+$0x0], $0xffff;
	vm15 =	vclass.f32 v13, $0x3DF;
	v54 =	vbroadcast v11, $0x2;
	v17 =	vor.u32 v1, v52  }
0xf2: {  	v22 =	vld.idx.msk [tilespmem:v9+s12+$0x0], $0xffff;
	vm9 =	vclass.f32 v14, $0x3DF;
	v55 =	vbroadcast v11, $0x3;
	v19 =	vor.u32 v1, v53  }
0xf3: {  	v56 =	vld.idx.msk [tilespmem:v10+s12+$0x0], $0xffff;
	vm10 =	vclass.f32 v15, $0x3DF;
	v57 =	vbroadcast v11, $0x4;
	v21 =	vor.u32 v1, v54  }
0xf4: {  	vm11 =	vclass.f32 v16, $0x3DF;
	v58 =	vbroadcast v11, $0x5;
	v23 =	vor.u32 v1, v55  }
0xf5: {  	vm12 =	vclass.f32 v18, $0x3DF;
	v59 =	vbroadcast v11, $0x6;
	v25 =	vor.u32 v1, v57  }
0xf6: {  	vm13 =	vclass.f32 v20, $0x3DF;
	v61 =	vbroadcast v11, $0x7;
	v60 =	vor.u32 v1, v58;
	[tilespmem:v17+s13+$0x0] =	vst.idx.msk vm14, v12  }
0xf7: {  	v11 =	vbroadcast v11, $0x8;
	v62 =	vor.u32 v1, v59;
	vm14 =	vclass.f32 v22, $0x3DF;
	[tilespmem:v19+s13+$0x0] =	vst.idx.msk vm15, v13  }
0xf8: {  	v63 =	vor.u32 v1, v61;
	vm15 =	vclass.f32 v56, $0x3DF;
	[tilespmem:v21+s13+$0x0] =	vst.idx.msk vm9, v14  }
0xf9: {  	v11 =	vor.u32 v1, v11;
	[tilespmem:v23+s13+$0x0] =	vst.idx.msk vm10, v15  }
0xfa: {  	[tilespmem:v25+s13+$0x0] =	vst.idx.msk vm11, v16  }
0xfb: {  	[tilespmem:v60+s13+$0x0] =	vst.idx.msk vm12, v18  }
0xfc: {  	s15 =	sadd.s32 $0x1, s15;
	[tilespmem:v62+s13+$0x0] =	vst.idx.msk vm13, v20  }
0xfd: {  	p0 =	sne.s32 s15, s8;
	[tilespmem:v63+s13+$0x0] =	vst.idx.msk vm14, v22  }
.Ltmp4:
0xfe: {  	[tilespmem:v11+s13+$0x0] =	vst.idx.msk vm15, v56;
	(pc) =	sbr.rel @p0 .LBB2_1-.Ltmp4, $4  }
0xff: {  	[hbm4b:s7+s10] =	stream.strided.scatter [tilespmem:s13], [sflag:$0x1], $0xC800, s11, s10, $0x38;
	[tilespmem:$0x19C80] =	vst v63  }
0x100: {  	_ =	swait.ge [sflag:s14], $0xC800  }
0x101: {  	[sflag:s14] =	ssyncset.done $0x0  }
0x102: {  	[sflag:s14] =	ssyncadd.s32 $0xFFFF3800  }
0x103: {  	_ =	sfence.sel $0x180000  }
0x104: {  	[bflag:$0x0] =	sbarrier.arrive $0xFFFF  }
0x105: {  	p0 =	sne.s32 s2, $0x0;
	_ =	strace $0x90000047  }
0x106: {  	s0 =	sadd.s32 @!p0 $0x100000, s0;
	[bflag:$0x2] =	sbarrier.arrive $0xFFFF  }
0x107: {  	[sflag:s0] =	ssyncadd.tile.s32 @!p0 $0x1;
	_ =	shalt  }
.Lfunc_end2:
_tile_overlayer_lowered:
.L_overlay_start_2:
0x108: {  	(tag) =	ssettag $0x2  }
0x109: {  	s0 =	rddreg [dreg:$0x0];
	s2 =	stileid.u32  }
0x10a: {  	s1 =	rddreg [dreg:$0x1];
	p0 =	sne.s32 s2, $0x0  }
0x10b: {  	s3 =	rddreg [dreg:$0x2];
	[bflag:$0x3] =	sbarrier.arrive $0xFFFF;
	s2 =	simm.s32 @!p0 $0x1C02  }
0x10c: {  	[timem:s3], [sflag:s2] =	dma.local @!p0 [hbm:s0], s1  }
0x10d: {  	s0 =	simm.s32 @!p0 $0x2  }
0x10e: {  	_ =	swait.ge @!p0 [sflag:s0], s1  }
0x10f: {  	s1 =	ssub.s32 @!p0 $0x0, s1;
	[sflag:s0] =	ssyncset.done @!p0 $0x0  }
0x110: {  	[sflag:s0] =	ssyncadd.s32 @!p0 s1  }
0x111: {  	[bflag:$0x3] =	sbarrier.arrive $0xFFFF  }
0x112: {  	_ =	shalt  }

</sc_bundles>
